<compile_context>
chip_gen: v7x
topology: tpu7x:2x2x1
jax: 0.10.2.dev20260603
libtpu: 0.0.44.dev20260713+nightly
codegen_flags: <defaults>
</compile_context>

<pallas_src>
import functools

import jax
import jax.numpy as jnp
from jax import lax
from jax.experimental import pallas as pl
from jax.experimental.pallas import tpu as pltpu
from jax.experimental.pallas import tpu_sc as plsc

EMB = 32
G = 128
NC, NS = 2, 16
NW = NC * NS
H = 50
B = 16384
NBLK = H * (B // G)


def _sc_gather_add_t():
    blocks_per_w = NBLK // NW

    mesh = plsc.VectorSubcoreMesh(core_axis_name="c", subcore_axis_name="s")

    @functools.partial(
        pl.kernel,
        mesh=mesh,
        out_type=jax.ShapeDtypeStruct((H, 4, B // G, 8, G), jnp.float32),
        compiler_params=pltpu.CompilerParams(
            use_tc_tiling_on_sc=False, needs_layout_passes=False
        ),
        scratch_types=[
            pltpu.VMEM((2, G), jnp.int32),
            pltpu.VMEM((2, G), jnp.int32),
            pltpu.VMEM((2, G, EMB), jnp.float32),
            pltpu.VMEM((2, G, EMB), jnp.float32),
            pltpu.VMEM((2, 4, 8, G), jnp.float32),
            pltpu.SemaphoreType.DMA,
            pltpu.SemaphoreType.DMA,
            pltpu.SemaphoreType.DMA,
            pltpu.SemaphoreType.DMA,
            pltpu.SemaphoreType.DMA,
            pltpu.SemaphoreType.DMA,
        ],
    )
    def k(i1_hbm, i2_hbm, w1_hbm, w2_hbm, o_hbm,
          i1v, i2v, r1v, r2v, ov, sg0, sg1, si0, si1, ss0, ss1):
        sem_g = (sg0, sg1)
        sem_i = (si0, si1)
        sem_s = (ss0, ss1)
        wid = lax.axis_index("s") * NC + lax.axis_index("c")
        gbase = wid * blocks_per_w

        iota = lax.iota(jnp.int32, 16)

        def fire_idx(g, s):
            pltpu.async_copy(i1_hbm.at[pl.ds(g * G, G)], i1v.at[s], sem_i[s])
            pltpu.async_copy(i2_hbm.at[pl.ds(g * G, G)], i2v.at[s], sem_i[s])

        def wait_idx(s):
            pltpu.make_async_copy(i1_hbm.at[pl.ds(0, G)], i1v.at[s], sem_i[s]).wait()
            pltpu.make_async_copy(i2_hbm.at[pl.ds(0, G)], i2v.at[s], sem_i[s]).wait()

        def fire_gathers(s):
            pltpu.async_copy(w1_hbm.at[i1v.at[s]], r1v.at[s], sem_g[s])
            pltpu.async_copy(w2_hbm.at[i2v.at[s]], r2v.at[s], sem_g[s])

        def drain_gathers(s):
            pltpu.make_async_copy(w1_hbm.at[i1v.at[s]], r1v.at[s], sem_g[s]).wait()
            pltpu.make_async_copy(w2_hbm.at[i2v.at[s]], r2v.at[s], sem_g[s]).wait()

        def fire_store(g, s):
            h = g >> 7
            b128 = g & 127
            pltpu.async_copy(ov.at[s], o_hbm.at[h, :, b128], sem_s[s])

        def wait_store(s):
            pltpu.make_async_copy(ov.at[s], o_hbm.at[0, :, 0], sem_s[s]).wait()

        def compute(s):
            @plsc.parallel_loop(0, (G // 16) * EMB, 1, unroll=16)
            def _(t):
                jrow = iota + ((t & 7) << 4)
                ccol = jnp.full((16,), 0, jnp.int32) + (t >> 3)
                a = plsc.load_gather(r1v.at[s], [jrow, ccol])
                b = plsc.load_gather(r2v.at[s], [jrow, ccol])
                ov[s, t >> 6, (t >> 3) & 7, pl.ds((t & 7) * 16, 16)] = a + b

        pltpu.sync_copy(i1_hbm.at[pl.ds(gbase * G, G)], i1v.at[0])
        pltpu.sync_copy(i2_hbm.at[pl.ds(gbase * G, G)], i2v.at[0])
        fire_gathers(0)
        fire_idx(gbase + 1, 1)

        @pl.loop(0, blocks_per_w // 2)
        def _(p):
            for sl in range(2):
                gl = 2 * p + sl
                g = gbase + gl
                o = 1 - sl

                @pl.when(gl + 1 < blocks_per_w)
                def _():
                    wait_idx(o)
                    fire_gathers(o)

                drain_gathers(sl)

                @pl.when(gl >= 2)
                def _():
                    wait_store(sl)

                compute(sl)
                fire_store(g, sl)

                @pl.when(gl + 2 < blocks_per_w)
                def _():
                    fire_idx(g + 2, sl)

        wait_store(0)
        wait_store(1)

    return k


def kernel(input, another_input, W1, W2):
    i1t = jnp.transpose(input.astype(jnp.int32)).reshape(H * B)
    i2t = jnp.transpose(another_input.astype(jnp.int32)).reshape(H * B)
    out5 = _sc_gather_add_t()(i1t, i2t, W1, W2)
    out = out5.transpose(0, 1, 3, 2, 4).reshape(H, EMB, B).transpose(2, 0, 1)
    return out

# --- scband reference (transcript-rebuilt; emitter-appended) ---
"""Pipeline reference for scband-text-module-32779190403156 (READ-ONLY COPY).

The authoritative reference and input builder live on the scoring server;
editing this copy changes nothing except your own understanding.
"""

import jax, jax.numpy as jnp
import numpy as np

NUM_EMBEDDINGS = 1000000
EMBEDDING_DIM = 32
BATCH = 16384
HIST = 50

def setup_inputs(seed: int = 0) -> dict:
    key = jax.random.key(seed)
    k1, k2, k3, k4 = jax.random.split(key, 4)
    inp = jax.random.randint(k1, (BATCH, HIST), 0, NUM_EMBEDDINGS, dtype=jnp.int64 if jax.config.jax_enable_x64 else jnp.int32)
    another = jax.random.randint(k2, (BATCH, HIST), 0, NUM_EMBEDDINGS, dtype=jnp.int64 if jax.config.jax_enable_x64 else jnp.int32)
    W1 = jax.random.normal(k3, (NUM_EMBEDDINGS, EMBEDDING_DIM), dtype=jnp.float32)
    W2 = jax.random.normal(k4, (NUM_EMBEDDINGS, EMBEDDING_DIM), dtype=jnp.float32)
    return {"input": inp, "another_input": another, "W1": W1, "W2": W2}

def reference(input, another_input, W1, W2):
    # embedding = self.inner_embedding(input)
    embedding = jnp.take(W1, input, axis=0)
    # second_embedding=True and another_input is not None
    another_embedding = jnp.take(W2, another_input, axis=0)
    return embedding + another_embedding

if __name__ == "__main__":
    import jax
    _d = setup_inputs()
    print(jax.jit(kernel)(*tuple(_d.values())))

</pallas_src>

<mosaic_0001>
#map = affine_map<(d0, d1) -> (0)>
#map1 = affine_map<(d0, d1) -> (0, 0)>
#map2 = affine_map<(d0, d1) -> (0, 0, 0, 0, 0)>
module attributes {stable_mosaic.version = 14 : i64} {
  func.func @k(%arg0: i32, %arg1: i32, %arg2: memref<819200xi32, #tpu.memory_space<hbm>>, %arg3: memref<819200xi32, #tpu.memory_space<hbm>>, %arg4: memref<1000000x32xf32, #tpu.memory_space<hbm>>, %arg5: memref<1000000x32xf32, #tpu.memory_space<hbm>>, %arg6: memref<50x4x128x8x128xf32, #tpu.memory_space<hbm>>, %arg7: memref<2x128xi32, #tpu.memory_space<vmem>>, %arg8: memref<2x128xi32, #tpu.memory_space<vmem>>, %arg9: memref<2x128x32xf32, #tpu.memory_space<vmem>>, %arg10: memref<2x128x32xf32, #tpu.memory_space<vmem>>, %arg11: memref<2x4x8x128xf32, #tpu.memory_space<vmem>>, %arg12: memref<!tpu.dma_semaphore, #tpu.memory_space<semaphore_mem>>, %arg13: memref<!tpu.dma_semaphore, #tpu.memory_space<semaphore_mem>>, %arg14: memref<!tpu.dma_semaphore, #tpu.memory_space<semaphore_mem>>, %arg15: memref<!tpu.dma_semaphore, #tpu.memory_space<semaphore_mem>>, %arg16: memref<!tpu.dma_semaphore, #tpu.memory_space<semaphore_mem>>, %arg17: memref<!tpu.dma_semaphore, #tpu.memory_space<semaphore_mem>>) attributes {dimension_semantics = [#tpu.dimension_semantics<core_parallel>, #tpu.dimension_semantics<subcore_parallel>], iteration_bounds = array<i64: 2, 16>, scalar_prefetch = 0 : i64, scratch_operands = 11 : i64, tpu.core_type = #tpu.core_type<sc_vector_subcore>, window_params = [{transform_indices = #map}, {transform_indices = #map}, {transform_indices = #map1}, {transform_indices = #map1}, {transform_indices = #map2}]} {
    %mul3A = arith.constant 2 : i32
    %mul3A_0 = arith.muli %arg1, %mul3A : i32
    %add3A = arith.addi %mul3A_0, %arg0 : i32
    %mul3A_1 = arith.constant 200 : i32
    %mul3A_2 = arith.muli %add3A, %mul3A_1 : i32
    %iota3A = tpu.iota {dimensions = array<i32: 0>} : vector<16xi32>
    %mul3A_3 = arith.constant 128 : i32
    %mul3A_4 = arith.muli %mul3A_2, %mul3A_3 : i32
    %run_scoped3A = arith.constant 0 : i32
    "tpu.region"() ({
      %run_scoped3A_104 = tpu.sem_alloc : memref<!tpu.dma_semaphore, #tpu.memory_space<semaphore_mem>>
      %dma_start3A_105 = arith.constant 0 : i32
      %dma_start3A_106 = tpu.memref_slice %arg7[%run_scoped3A, %dma_start3A_105] : memref<2x128xi32, #tpu.memory_space<vmem>> -> memref<1x128xi32, #tpu.memory_space<vmem>>
      %dma_start3A_107 = tpu.memref_squeeze %dma_start3A_106 : memref<1x128xi32, #tpu.memory_space<vmem>> -> memref<128xi32, #tpu.memory_space<vmem>>
      %dma_start3A_108 = tpu.memref_slice %arg2[%mul3A_4] : memref<819200xi32, #tpu.memory_space<hbm>> -> memref<128xi32, #tpu.memory_space<hbm>>
      %dma_start3A_109 = arith.constant 0 : i32
      %dma_start3A_110 = tpu.memref_slice %arg7[%run_scoped3A, %dma_start3A_109] : memref<2x128xi32, #tpu.memory_space<vmem>> -> memref<1x128xi32, #tpu.memory_space<vmem>>
      %dma_start3A_111 = tpu.memref_squeeze %dma_start3A_110 : memref<1x128xi32, #tpu.memory_space<vmem>> -> memref<128xi32, #tpu.memory_space<vmem>>
      %dma_start3A_112 = tpu.memref_slice %arg2[%mul3A_4] : memref<819200xi32, #tpu.memory_space<hbm>> -> memref<128xi32, #tpu.memory_space<hbm>>
      tpu.enqueue_dma source(%dma_start3A_112 : memref<128xi32, #tpu.memory_space<hbm>>) target(%dma_start3A_111 : memref<128xi32, #tpu.memory_space<vmem>>) target_semaphore(%run_scoped3A_104 : memref<!tpu.dma_semaphore, #tpu.memory_space<semaphore_mem>>)
      %dma_wait3A_113 = arith.constant 0 : i32
      %dma_wait3A_114 = tpu.memref_slice %arg7[%run_scoped3A, %dma_wait3A_113] : memref<2x128xi32, #tpu.memory_space<vmem>> -> memref<1x128xi32, #tpu.memory_space<vmem>>
      %dma_wait3A_115 = tpu.memref_squeeze %dma_wait3A_114 : memref<1x128xi32, #tpu.memory_space<vmem>> -> memref<128xi32, #tpu.memory_space<vmem>>
      %dma_wait3A_116 = tpu.memref_slice %arg2[%mul3A_4] : memref<819200xi32, #tpu.memory_space<hbm>> -> memref<128xi32, #tpu.memory_space<hbm>>
      %dma_wait3A_117 = arith.constant 0 : i32
      %dma_wait3A_118 = tpu.memref_slice %arg7[%run_scoped3A, %dma_wait3A_117] : memref<2x128xi32, #tpu.memory_space<vmem>> -> memref<1x128xi32, #tpu.memory_space<vmem>>
      %dma_wait3A_119 = tpu.memref_squeeze %dma_wait3A_118 : memref<1x128xi32, #tpu.memory_space<vmem>> -> memref<128xi32, #tpu.memory_space<vmem>>
      %dma_wait3A_120 = tpu.memref_slice %arg2[%mul3A_4] : memref<819200xi32, #tpu.memory_space<hbm>> -> memref<128xi32, #tpu.memory_space<hbm>>
      tpu.wait_dma2 semaphore(%run_scoped3A_104 : memref<!tpu.dma_semaphore, #tpu.memory_space<semaphore_mem>>) src(%dma_wait3A_120 : memref<128xi32, #tpu.memory_space<hbm>>) dst(%dma_wait3A_119 : memref<128xi32, #tpu.memory_space<vmem>>)
      tpu.yield
    }) : () -> ()
    %mul3A_5 = arith.constant 128 : i32
    %mul3A_6 = arith.muli %mul3A_2, %mul3A_5 : i32
    %run_scoped3A_7 = arith.constant 0 : i32
    "tpu.region"() ({
      %run_scoped3A_104 = tpu.sem_alloc : memref<!tpu.dma_semaphore, #tpu.memory_space<semaphore_mem>>
      %dma_start3A_105 = arith.constant 0 : i32
      %dma_start3A_106 = tpu.memref_slice %arg8[%run_scoped3A_7, %dma_start3A_105] : memref<2x128xi32, #tpu.memory_space<vmem>> -> memref<1x128xi32, #tpu.memory_space<vmem>>
      %dma_start3A_107 = tpu.memref_squeeze %dma_start3A_106 : memref<1x128xi32, #tpu.memory_space<vmem>> -> memref<128xi32, #tpu.memory_space<vmem>>
      %dma_start3A_108 = tpu.memref_slice %arg3[%mul3A_6] : memref<819200xi32, #tpu.memory_space<hbm>> -> memref<128xi32, #tpu.memory_space<hbm>>
      %dma_start3A_109 = arith.constant 0 : i32
      %dma_start3A_110 = tpu.memref_slice %arg8[%run_scoped3A_7, %dma_start3A_109] : memref<2x128xi32, #tpu.memory_space<vmem>> -> memref<1x128xi32, #tpu.memory_space<vmem>>
      %dma_start3A_111 = tpu.memref_squeeze %dma_start3A_110 : memref<1x128xi32, #tpu.memory_space<vmem>> -> memref<128xi32, #tpu.memory_space<vmem>>
      %dma_start3A_112 = tpu.memref_slice %arg3[%mul3A_6] : memref<819200xi32, #tpu.memory_space<hbm>> -> memref<128xi32, #tpu.memory_space<hbm>>
      tpu.enqueue_dma source(%dma_start3A_112 : memref<128xi32, #tpu.memory_space<hbm>>) target(%dma_start3A_111 : memref<128xi32, #tpu.memory_space<vmem>>) target_semaphore(%run_scoped3A_104 : memref<!tpu.dma_semaphore, #tpu.memory_space<semaphore_mem>>)
      %dma_wait3A_113 = arith.constant 0 : i32
      %dma_wait3A_114 = tpu.memref_slice %arg8[%run_scoped3A_7, %dma_wait3A_113] : memref<2x128xi32, #tpu.memory_space<vmem>> -> memref<1x128xi32, #tpu.memory_space<vmem>>
      %dma_wait3A_115 = tpu.memref_squeeze %dma_wait3A_114 : memref<1x128xi32, #tpu.memory_space<vmem>> -> memref<128xi32, #tpu.memory_space<vmem>>
      %dma_wait3A_116 = tpu.memref_slice %arg3[%mul3A_6] : memref<819200xi32, #tpu.memory_space<hbm>> -> memref<128xi32, #tpu.memory_space<hbm>>
      %dma_wait3A_117 = arith.constant 0 : i32
      %dma_wait3A_118 = tpu.memref_slice %arg8[%run_scoped3A_7, %dma_wait3A_117] : memref<2x128xi32, #tpu.memory_space<vmem>> -> memref<1x128xi32, #tpu.memory_space<vmem>>
      %dma_wait3A_119 = tpu.memref_squeeze %dma_wait3A_118 : memref<1x128xi32, #tpu.memory_space<vmem>> -> memref<128xi32, #tpu.memory_space<vmem>>
      %dma_wait3A_120 = tpu.memref_slice %arg3[%mul3A_6] : memref<819200xi32, #tpu.memory_space<hbm>> -> memref<128xi32, #tpu.memory_space<hbm>>
      tpu.wait_dma2 semaphore(%run_scoped3A_104 : memref<!tpu.dma_semaphore, #tpu.memory_space<semaphore_mem>>) src(%dma_wait3A_120 : memref<128xi32, #tpu.memory_space<hbm>>) dst(%dma_wait3A_119 : memref<128xi32, #tpu.memory_space<vmem>>)
      tpu.yield
    }) : () -> ()
    %dma_start3A = arith.constant 0 : i32
    %dma_start3A_8 = arith.constant 0 : i32
    %dma_start3A_9 = arith.constant 0 : i32
    %dma_start3A_10 = arith.constant 0 : i32
    %dma_start3A_11 = tpu.memref_slice %arg9[%dma_start3A_8, %dma_start3A_9, %dma_start3A_10] : memref<2x128x32xf32, #tpu.memory_space<vmem>> -> memref<1x128x32xf32, #tpu.memory_space<vmem>>
    %dma_start3A_12 = tpu.memref_squeeze %dma_start3A_11 : memref<1x128x32xf32, #tpu.memory_space<vmem>> -> memref<128x32xf32, #tpu.memory_space<vmem>>
    %dma_start3A_13 = arith.constant 0 : i32
    %dma_start3A_14 = tpu.memref_slice %arg7[%dma_start3A, %dma_start3A_13] : memref<2x128xi32, #tpu.memory_space<vmem>> -> memref<1x128xi32, #tpu.memory_space<vmem>>
    %dma_start3A_15 = tpu.memref_squeeze %dma_start3A_14 : memref<1x128xi32, #tpu.memory_space<vmem>> -> memref<128xi32, #tpu.memory_space<vmem>>
    %dma_start3A_16 = arith.constant 0 : i32
    %dma_start3A_17 = arith.constant 0 : i32
    %dma_start3A_18 = tpu.memref_slice %arg4[%dma_start3A_16, %dma_start3A_17] : memref<1000000x32xf32, #tpu.memory_space<hbm>> -> memref<1000000x32xf32, #tpu.memory_space<hbm>>
    tpu.enqueue_indirect_dma source(%dma_start3A_18 : memref<1000000x32xf32, #tpu.memory_space<hbm>>) target(%dma_start3A_12 : memref<128x32xf32, #tpu.memory_space<vmem>>) offsets(%dma_start3A_15 : memref<128xi32, #tpu.memory_space<vmem>>) semaphore(%arg12 : memref<!tpu.dma_semaphore, #tpu.memory_space<semaphore_mem>>)
    %dma_start3A_19 = arith.constant 0 : i32
    %dma_start3A_20 = arith.constant 0 : i32
    %dma_start3A_21 = arith.constant 0 : i32
    %dma_start3A_22 = arith.constant 0 : i32
    %dma_start3A_23 = tpu.memref_slice %arg10[%dma_start3A_20, %dma_start3A_21, %dma_start3A_22] : memref<2x128x32xf32, #tpu.memory_space<vmem>> -> memref<1x128x32xf32, #tpu.memory_space<vmem>>
    %dma_start3A_24 = tpu.memref_squeeze %dma_start3A_23 : memref<1x128x32xf32, #tpu.memory_space<vmem>> -> memref<128x32xf32, #tpu.memory_space<vmem>>
    %dma_start3A_25 = arith.constant 0 : i32
    %dma_start3A_26 = tpu.memref_slice %arg8[%dma_start3A_19, %dma_start3A_25] : memref<2x128xi32, #tpu.memory_space<vmem>> -> memref<1x128xi32, #tpu.memory_space<vmem>>
    %dma_start3A_27 = tpu.memref_squeeze %dma_start3A_26 : memref<1x128xi32, #tpu.memory_space<vmem>> -> memref<128xi32, #tpu.memory_space<vmem>>
    %dma_start3A_28 = arith.constant 0 : i32
    %dma_start3A_29 = arith.constant 0 : i32
    %dma_start3A_30 = tpu.memref_slice %arg5[%dma_start3A_28, %dma_start3A_29] : memref<1000000x32xf32, #tpu.memory_space<hbm>> -> memref<1000000x32xf32, #tpu.memory_space<hbm>>
    tpu.enqueue_indirect_dma source(%dma_start3A_30 : memref<1000000x32xf32, #tpu.memory_space<hbm>>) target(%dma_start3A_24 : memref<128x32xf32, #tpu.memory_space<vmem>>) offsets(%dma_start3A_27 : memref<128xi32, #tpu.memory_space<vmem>>) semaphore(%arg12 : memref<!tpu.dma_semaphore, #tpu.memory_space<semaphore_mem>>)
    %add3A_31 = arith.constant 1 : i32
    %add3A_32 = arith.addi %mul3A_2, %add3A_31 : i32
    %mul3A_33 = arith.constant 128 : i32
    %mul3A_34 = arith.muli %add3A_32, %mul3A_33 : i32
    %dma_start3A_35 = arith.constant 1 : i32
    %dma_start3A_36 = arith.constant 0 : i32
    %dma_start3A_37 = tpu.memref_slice %arg7[%dma_start3A_35, %dma_start3A_36] : memref<2x128xi32, #tpu.memory_space<vmem>> -> memref<1x128xi32, #tpu.memory_space<vmem>>
    %dma_start3A_38 = tpu.memref_squeeze %dma_start3A_37 : memref<1x128xi32, #tpu.memory_space<vmem>> -> memref<128xi32, #tpu.memory_space<vmem>>
    %dma_start3A_39 = tpu.memref_slice %arg2[%mul3A_34] : memref<819200xi32, #tpu.memory_space<hbm>> -> memref<128xi32, #tpu.memory_space<hbm>>
    %dma_start3A_40 = arith.constant 0 : i32
    %dma_start3A_41 = tpu.memref_slice %arg7[%dma_start3A_35, %dma_start3A_40] : memref<2x128xi32, #tpu.memory_space<vmem>> -> memref<1x128xi32, #tpu.memory_space<vmem>>
    %dma_start3A_42 = tpu.memref_squeeze %dma_start3A_41 : memref<1x128xi32, #tpu.memory_space<vmem>> -> memref<128xi32, #tpu.memory_space<vmem>>
    %dma_start3A_43 = tpu.memref_slice %arg2[%mul3A_34] : memref<819200xi32, #tpu.memory_space<hbm>> -> memref<128xi32, #tpu.memory_space<hbm>>
    tpu.enqueue_dma source(%dma_start3A_43 : memref<128xi32, #tpu.memory_space<hbm>>) target(%dma_start3A_42 : memref<128xi32, #tpu.memory_space<vmem>>) target_semaphore(%arg15 : memref<!tpu.dma_semaphore, #tpu.memory_space<semaphore_mem>>)
    %mul3A_44 = arith.constant 128 : i32
    %mul3A_45 = arith.muli %add3A_32, %mul3A_44 : i32
    %dma_start3A_46 = arith.constant 1 : i32
    %dma_start3A_47 = arith.constant 0 : i32
    %dma_start3A_48 = tpu.memref_slice %arg8[%dma_start3A_46, %dma_start3A_47] : memref<2x128xi32, #tpu.memory_space<vmem>> -> memref<1x128xi32, #tpu.memory_space<vmem>>
    %dma_start3A_49 = tpu.memref_squeeze %dma_start3A_48 : memref<1x128xi32, #tpu.memory_space<vmem>> -> memref<128xi32, #tpu.memory_space<vmem>>
    %dma_start3A_50 = tpu.memref_slice %arg3[%mul3A_45] : memref<819200xi32, #tpu.memory_space<hbm>> -> memref<128xi32, #tpu.memory_space<hbm>>
    %dma_start3A_51 = arith.constant 0 : i32
    %dma_start3A_52 = tpu.memref_slice %arg8[%dma_start3A_46, %dma_start3A_51] : memref<2x128xi32, #tpu.memory_space<vmem>> -> memref<1x128xi32, #tpu.memory_space<vmem>>
    %dma_start3A_53 = tpu.memref_squeeze %dma_start3A_52 : memref<1x128xi32, #tpu.memory_space<vmem>> -> memref<128xi32, #tpu.memory_space<vmem>>
    %dma_start3A_54 = tpu.memref_slice %arg3[%mul3A_45] : memref<819200xi32, #tpu.memory_space<hbm>> -> memref<128xi32, #tpu.memory_space<hbm>>
    tpu.enqueue_dma source(%dma_start3A_54 : memref<128xi32, #tpu.memory_space<hbm>>) target(%dma_start3A_53 : memref<128xi32, #tpu.memory_space<vmem>>) target_semaphore(%arg15 : memref<!tpu.dma_semaphore, #tpu.memory_space<semaphore_mem>>)
    %scan3A = arith.constant 0 : i32
    %scan3A_55 = arith.constant 100 : i32
    %scan3A_56 = arith.addi %scan3A, %scan3A_55 : i32
    %scan3A_57 = arith.constant 1 : i32
    scf.for %scan3A_104 = %scan3A to %scan3A_56 step %scan3A_57  : i32 {
      %mul3A_105 = arith.constant 1 : i32
      %mul3A_106 = arith.muli %scan3A_104, %mul3A_105 : i32
      %add3A_107 = arith.constant 0 : i32
      %add3A_108 = arith.addi %add3A_107, %mul3A_106 : i32
      %mul3A_109 = arith.constant 2 : i32
      %mul3A_110 = arith.muli %mul3A_109, %add3A_108 : i32
      %add3A_111 = arith.constant 0 : i32
      %add3A_112 = arith.addi %mul3A_110, %add3A_111 : i32
      %add3A_113 = arith.addi %mul3A_2, %add3A_112 : i32
      %add3A_114 = arith.constant 1 : i32
      %add3A_115 = arith.addi %add3A_112, %add3A_114 : i32
      %lt3A = arith.constant 200 : i32
      %lt3A_116 = arith.cmpi slt, %add3A_115, %lt3A : i32
      %convert_element_type3A = arith.extui %lt3A_116 : i1 to i32
      %cond3A = arith.constant 0 : i32
      %cond3A_117 = arith.cmpi ne, %convert_element_type3A, %cond3A : i32
      scf.if %cond3A_117 {
        %dma_wait3A_254 = arith.constant 1 : i32
        %dma_wait3A_255 = arith.constant 0 : i32
        %dma_wait3A_256 = tpu.memref_slice %arg7[%dma_wait3A_254, %dma_wait3A_255] : memref<2x128xi32, #tpu.memory_space<vmem>> -> memref<1x128xi32, #tpu.memory_space<vmem>>
        %dma_wait3A_257 = tpu.memref_squeeze %dma_wait3A_256 : memref<1x128xi32, #tpu.memory_space<vmem>> -> memref<128xi32, #tpu.memory_space<vmem>>
        %dma_wait3A_258 = arith.constant 0 : i32
        %dma_wait3A_259 = tpu.memref_slice %arg2[%dma_wait3A_258] : memref<819200xi32, #tpu.memory_space<hbm>> -> memref<128xi32, #tpu.memory_space<hbm>>
        %dma_wait3A_260 = arith.constant 0 : i32
        %dma_wait3A_261 = tpu.memref_slice %arg7[%dma_wait3A_254, %dma_wait3A_260] : memref<2x128xi32, #tpu.memory_space<vmem>> -> memref<1x128xi32, #tpu.memory_space<vmem>>
        %dma_wait3A_262 = tpu.memref_squeeze %dma_wait3A_261 : memref<1x128xi32, #tpu.memory_space<vmem>> -> memref<128xi32, #tpu.memory_space<vmem>>
        %dma_wait3A_263 = arith.constant 0 : i32
        %dma_wait3A_264 = tpu.memref_slice %arg2[%dma_wait3A_263] : memref<819200xi32, #tpu.memory_space<hbm>> -> memref<128xi32, #tpu.memory_space<hbm>>
        tpu.wait_dma2 semaphore(%arg15 : memref<!tpu.dma_semaphore, #tpu.memory_space<semaphore_mem>>) src(%dma_wait3A_264 : memref<128xi32, #tpu.memory_space<hbm>>) dst(%dma_wait3A_262 : memref<128xi32, #tpu.memory_space<vmem>>)
        %dma_wait3A_265 = arith.constant 1 : i32
        %dma_wait3A_266 = arith.constant 0 : i32
        %dma_wait3A_267 = tpu.memref_slice %arg8[%dma_wait3A_265, %dma_wait3A_266] : memref<2x128xi32, #tpu.memory_space<vmem>> -> memref<1x128xi32, #tpu.memory_space<vmem>>
        %dma_wait3A_268 = tpu.memref_squeeze %dma_wait3A_267 : memref<1x128xi32, #tpu.memory_space<vmem>> -> memref<128xi32, #tpu.memory_space<vmem>>
        %dma_wait3A_269 = arith.constant 0 : i32
        %dma_wait3A_270 = tpu.memref_slice %arg3[%dma_wait3A_269] : memref<819200xi32, #tpu.memory_space<hbm>> -> memref<128xi32, #tpu.memory_space<hbm>>
        %dma_wait3A_271 = arith.constant 0 : i32
        %dma_wait3A_272 = tpu.memref_slice %arg8[%dma_wait3A_265, %dma_wait3A_271] : memref<2x128xi32, #tpu.memory_space<vmem>> -> memref<1x128xi32, #tpu.memory_space<vmem>>
        %dma_wait3A_273 = tpu.memref_squeeze %dma_wait3A_272 : memref<1x128xi32, #tpu.memory_space<vmem>> -> memref<128xi32, #tpu.memory_space<vmem>>
        %dma_wait3A_274 = arith.constant 0 : i32
        %dma_wait3A_275 = tpu.memref_slice %arg3[%dma_wait3A_274] : memref<819200xi32, #tpu.memory_space<hbm>> -> memref<128xi32, #tpu.memory_space<hbm>>
        tpu.wait_dma2 semaphore(%arg15 : memref<!tpu.dma_semaphore, #tpu.memory_space<semaphore_mem>>) src(%dma_wait3A_275 : memref<128xi32, #tpu.memory_space<hbm>>) dst(%dma_wait3A_273 : memref<128xi32, #tpu.memory_space<vmem>>)
        %dma_start3A_276 = arith.constant 1 : i32
        %dma_start3A_277 = arith.constant 1 : i32
        %dma_start3A_278 = arith.constant 0 : i32
        %dma_start3A_279 = arith.constant 0 : i32
        %dma_start3A_280 = tpu.memref_slice %arg9[%dma_start3A_277, %dma_start3A_278, %dma_start3A_279] : memref<2x128x32xf32, #tpu.memory_space<vmem>> -> memref<1x128x32xf32, #tpu.memory_space<vmem>>
        %dma_start3A_281 = tpu.memref_squeeze %dma_start3A_280 : memref<1x128x32xf32, #tpu.memory_space<vmem>> -> memref<128x32xf32, #tpu.memory_space<vmem>>
        %dma_start3A_282 = arith.constant 0 : i32
        %dma_start3A_283 = tpu.memref_slice %arg7[%dma_start3A_276, %dma_start3A_282] : memref<2x128xi32, #tpu.memory_space<vmem>> -> memref<1x128xi32, #tpu.memory_space<vmem>>
        %dma_start3A_284 = tpu.memref_squeeze %dma_start3A_283 : memref<1x128xi32, #tpu.memory_space<vmem>> -> memref<128xi32, #tpu.memory_space<vmem>>
        %dma_start3A_285 = arith.constant 0 : i32
        %dma_start3A_286 = arith.constant 0 : i32
        %dma_start3A_287 = tpu.memref_slice %arg4[%dma_start3A_285, %dma_start3A_286] : memref<1000000x32xf32, #tpu.memory_space<hbm>> -> memref<1000000x32xf32, #tpu.memory_space<hbm>>
        tpu.enqueue_indirect_dma source(%dma_start3A_287 : memref<1000000x32xf32, #tpu.memory_space<hbm>>) target(%dma_start3A_281 : memref<128x32xf32, #tpu.memory_space<vmem>>) offsets(%dma_start3A_284 : memref<128xi32, #tpu.memory_space<vmem>>) semaphore(%arg13 : memref<!tpu.dma_semaphore, #tpu.memory_space<semaphore_mem>>)
        %dma_start3A_288 = arith.constant 1 : i32
        %dma_start3A_289 = arith.constant 1 : i32
        %dma_start3A_290 = arith.constant 0 : i32
        %dma_start3A_291 = arith.constant 0 : i32
        %dma_start3A_292 = tpu.memref_slice %arg10[%dma_start3A_289, %dma_start3A_290, %dma_start3A_291] : memref<2x128x32xf32, #tpu.memory_space<vmem>> -> memref<1x128x32xf32, #tpu.memory_space<vmem>>
        %dma_start3A_293 = tpu.memref_squeeze %dma_start3A_292 : memref<1x128x32xf32, #tpu.memory_space<vmem>> -> memref<128x32xf32, #tpu.memory_space<vmem>>
        %dma_start3A_294 = arith.constant 0 : i32
        %dma_start3A_295 = tpu.memref_slice %arg8[%dma_start3A_288, %dma_start3A_294] : memref<2x128xi32, #tpu.memory_space<vmem>> -> memref<1x128xi32, #tpu.memory_space<vmem>>
        %dma_start3A_296 = tpu.memref_squeeze %dma_start3A_295 : memref<1x128xi32, #tpu.memory_space<vmem>> -> memref<128xi32, #tpu.memory_space<vmem>>
        %dma_start3A_297 = arith.constant 0 : i32
        %dma_start3A_298 = arith.constant 0 : i32
        %dma_start3A_299 = tpu.memref_slice %arg5[%dma_start3A_297, %dma_start3A_298] : memref<1000000x32xf32, #tpu.memory_space<hbm>> -> memref<1000000x32xf32, #tpu.memory_space<hbm>>
        tpu.enqueue_indirect_dma source(%dma_start3A_299 : memref<1000000x32xf32, #tpu.memory_space<hbm>>) target(%dma_start3A_293 : memref<128x32xf32, #tpu.memory_space<vmem>>) offsets(%dma_start3A_296 : memref<128xi32, #tpu.memory_space<vmem>>) semaphore(%arg13 : memref<!tpu.dma_semaphore, #tpu.memory_space<semaphore_mem>>)
      } else {
      }
      %dma_wait3A_118 = arith.constant 0 : i32
      %dma_wait3A_119 = arith.constant 0 : i32
      %dma_wait3A_120 = arith.constant 0 : i32
      %dma_wait3A_121 = arith.constant 0 : i32
      %dma_wait3A_122 = tpu.memref_slice %arg9[%dma_wait3A_119, %dma_wait3A_120, %dma_wait3A_121] : memref<2x128x32xf32, #tpu.memory_space<vmem>> -> memref<1x128x32xf32, #tpu.memory_space<vmem>>
      %dma_wait3A_123 = tpu.memref_squeeze %dma_wait3A_122 : memref<1x128x32xf32, #tpu.memory_space<vmem>> -> memref<128x32xf32, #tpu.memory_space<vmem>>
      %dma_wait3A_124 = arith.constant 0 : i32
      %dma_wait3A_125 = tpu.memref_slice %arg7[%dma_wait3A_118, %dma_wait3A_124] : memref<2x128xi32, #tpu.memory_space<vmem>> -> memref<1x128xi32, #tpu.memory_space<vmem>>
      %dma_wait3A_126 = tpu.memref_squeeze %dma_wait3A_125 : memref<1x128xi32, #tpu.memory_space<vmem>> -> memref<128xi32, #tpu.memory_space<vmem>>
      %dma_wait3A_127 = arith.constant 0 : i32
      %dma_wait3A_128 = arith.constant 0 : i32
      %dma_wait3A_129 = tpu.memref_slice %arg4[%dma_wait3A_127, %dma_wait3A_128] : memref<1000000x32xf32, #tpu.memory_space<hbm>> -> memref<1000000x32xf32, #tpu.memory_space<hbm>>
      tpu.wait_indirect_dma semaphore(%arg12 : memref<!tpu.dma_semaphore, #tpu.memory_space<semaphore_mem>>) src(%dma_wait3A_129 : memref<1000000x32xf32, #tpu.memory_space<hbm>>) dst(%dma_wait3A_123 : memref<128x32xf32, #tpu.memory_space<vmem>>)
      %dma_wait3A_130 = arith.constant 0 : i32
      %dma_wait3A_131 = arith.constant 0 : i32
      %dma_wait3A_132 = arith.constant 0 : i32
      %dma_wait3A_133 = arith.constant 0 : i32
      %dma_wait3A_134 = tpu.memref_slice %arg10[%dma_wait3A_131, %dma_wait3A_132, %dma_wait3A_133] : memref<2x128x32xf32, #tpu.memory_space<vmem>> -> memref<1x128x32xf32, #tpu.memory_space<vmem>>
      %dma_wait3A_135 = tpu.memref_squeeze %dma_wait3A_134 : memref<1x128x32xf32, #tpu.memory_space<vmem>> -> memref<128x32xf32, #tpu.memory_space<vmem>>
      %dma_wait3A_136 = arith.constant 0 : i32
      %dma_wait3A_137 = tpu.memref_slice %arg8[%dma_wait3A_130, %dma_wait3A_136] : memref<2x128xi32, #tpu.memory_space<vmem>> -> memref<1x128xi32, #tpu.memory_space<vmem>>
      %dma_wait3A_138 = tpu.memref_squeeze %dma_wait3A_137 : memref<1x128xi32, #tpu.memory_space<vmem>> -> memref<128xi32, #tpu.memory_space<vmem>>
      %dma_wait3A_139 = arith.constant 0 : i32
      %dma_wait3A_140 = arith.constant 0 : i32
      %dma_wait3A_141 = tpu.memref_slice %arg5[%dma_wait3A_139, %dma_wait3A_140] : memref<1000000x32xf32, #tpu.memory_space<hbm>> -> memref<1000000x32xf32, #tpu.memory_space<hbm>>
      tpu.wait_indirect_dma semaphore(%arg12 : memref<!tpu.dma_semaphore, #tpu.memory_space<semaphore_mem>>) src(%dma_wait3A_141 : memref<1000000x32xf32, #tpu.memory_space<hbm>>) dst(%dma_wait3A_135 : memref<128x32xf32, #tpu.memory_space<vmem>>)
      %ge3A = arith.constant 2 : i32
      %ge3A_142 = arith.cmpi sge, %add3A_112, %ge3A : i32
      %convert_element_type3A_143 = arith.extui %ge3A_142 : i1 to i32
      %cond3A_144 = arith.constant 0 : i32
      %cond3A_145 = arith.cmpi ne, %convert_element_type3A_143, %cond3A_144 : i32
      scf.if %cond3A_145 {
        %dma_wait3A_254 = arith.constant 0 : i32
        %dma_wait3A_255 = arith.constant 0 : i32
        %dma_wait3A_256 = arith.constant 0 : i32
        %dma_wait3A_257 = arith.constant 0 : i32
        %dma_wait3A_258 = arith.constant 0 : i32
        %dma_wait3A_259 = arith.constant 0 : i32
        %dma_wait3A_260 = tpu.memref_slice %arg11[%dma_wait3A_254, %dma_wait3A_257, %dma_wait3A_258, %dma_wait3A_259] : memref<2x4x8x128xf32, #tpu.memory_space<vmem>> -> memref<1x4x8x128xf32, #tpu.memory_space<vmem>>
        %dma_wait3A_261 = tpu.memref_squeeze %dma_wait3A_260 : memref<1x4x8x128xf32, #tpu.memory_space<vmem>> -> memref<4x8x128xf32, #tpu.memory_space<vmem>>
        %dma_wait3A_262 = arith.constant 0 : i32
        %dma_wait3A_263 = arith.constant 0 : i32
        %dma_wait3A_264 = arith.constant 0 : i32
        %dma_wait3A_265 = tpu.memref_slice %arg6[%dma_wait3A_255, %dma_wait3A_262, %dma_wait3A_256, %dma_wait3A_263, %dma_wait3A_264] : memref<50x4x128x8x128xf32, #tpu.memory_space<hbm>> -> memref<1x4x1x8x128xf32, #tpu.memory_space<hbm>>
        %dma_wait3A_266 = tpu.memref_squeeze %dma_wait3A_265 : memref<1x4x1x8x128xf32, #tpu.memory_space<hbm>> -> memref<4x8x128xf32, #tpu.memory_space<hbm>>
        %dma_wait3A_267 = arith.constant 0 : i32
        %dma_wait3A_268 = arith.constant 0 : i32
        %dma_wait3A_269 = arith.constant 0 : i32
        %dma_wait3A_270 = tpu.memref_slice %arg6[%dma_wait3A_255, %dma_wait3A_267, %dma_wait3A_256, %dma_wait3A_268, %dma_wait3A_269] : memref<50x4x128x8x128xf32, #tpu.memory_space<hbm>> -> memref<1x4x1x8x128xf32, #tpu.memory_space<hbm>>
        %dma_wait3A_271 = tpu.memref_squeeze %dma_wait3A_270 : memref<1x4x1x8x128xf32, #tpu.memory_space<hbm>> -> memref<4x8x128xf32, #tpu.memory_space<hbm>>
        %dma_wait3A_272 = arith.constant 0 : i32
        %dma_wait3A_273 = arith.constant 0 : i32
        %dma_wait3A_274 = arith.constant 0 : i32
        %dma_wait3A_275 = tpu.memref_slice %arg11[%dma_wait3A_254, %dma_wait3A_272, %dma_wait3A_273, %dma_wait3A_274] : memref<2x4x8x128xf32, #tpu.memory_space<vmem>> -> memref<1x4x8x128xf32, #tpu.memory_space<vmem>>
        %dma_wait3A_276 = tpu.memref_squeeze %dma_wait3A_275 : memref<1x4x8x128xf32, #tpu.memory_space<vmem>> -> memref<4x8x128xf32, #tpu.memory_space<vmem>>
        tpu.wait_dma2 semaphore(%arg16 : memref<!tpu.dma_semaphore, #tpu.memory_space<semaphore_mem>>) src(%dma_wait3A_276 : memref<4x8x128xf32, #tpu.memory_space<vmem>>) dst(%dma_wait3A_271 : memref<4x8x128xf32, #tpu.memory_space<hbm>>)
      } else {
      }
      %parallel_loop3A = arith.constant 0 : i32
      %parallel_loop3A_146 = arith.constant 256 : i32
      %parallel_loop3A_147 = arith.constant 1 : i32
      scf.for %parallel_loop3A_254 = %parallel_loop3A to %parallel_loop3A_146 step %parallel_loop3A_147  : i32 {
        %parallel_loop3A_255 = arith.constant 7 : i32
        %parallel_loop3A_256 = arith.andi %parallel_loop3A_254, %parallel_loop3A_255 : i32
        %parallel_loop3A_257 = arith.constant 4 : i32
        %parallel_loop3A_258 = arith.shli %parallel_loop3A_256, %parallel_loop3A_257 : i32
        %parallel_loop3A_259 = vector.broadcast %parallel_loop3A_258 : i32 to vector<16xi32>
        %parallel_loop3A_260 = arith.addi %iota3A, %parallel_loop3A_259 : vector<16xi32>
        %parallel_loop3A_261 = arith.constant 0 : i32
        %parallel_loop3A_262 = vector.broadcast %parallel_loop3A_261 : i32 to vector<16xi32>
        %parallel_loop3A_263 = arith.constant 3 : i32
        %parallel_loop3A_264 = arith.shrsi %parallel_loop3A_254, %parallel_loop3A_263 : i32
        %parallel_loop3A_265 = vector.broadcast %parallel_loop3A_264 : i32 to vector<16xi32>
        %parallel_loop3A_266 = arith.addi %parallel_loop3A_262, %parallel_loop3A_265 : vector<16xi32>
        %parallel_loop3A_267 = arith.constant 0 : i32
        %parallel_loop3A_268 = arith.constant 0 : i32
        %parallel_loop3A_269 = arith.constant 0 : i32
        %parallel_loop3A_270 = tpu.memref_slice %arg9[%parallel_loop3A_267, %parallel_loop3A_268, %parallel_loop3A_269] : memref<2x128x32xf32, #tpu.memory_space<vmem>> -> memref<1x128x32xf32, #tpu.memory_space<vmem>>
        %parallel_loop3A_271 = tpu.memref_squeeze %parallel_loop3A_270 : memref<1x128x32xf32, #tpu.memory_space<vmem>> -> memref<128x32xf32, #tpu.memory_space<vmem>>
        %parallel_loop3A_272 = tpu.vector_load_idx %parallel_loop3A_271[%parallel_loop3A_260, %parallel_loop3A_266] : memref<128x32xf32, #tpu.memory_space<vmem>>[vector<16xi32>, vector<16xi32>], vector<16xf32>,
        %parallel_loop3A_273 = arith.constant 0 : i32
        %parallel_loop3A_274 = arith.constant 0 : i32
        %parallel_loop3A_275 = arith.constant 0 : i32
        %parallel_loop3A_276 = tpu.memref_slice %arg10[%parallel_loop3A_273, %parallel_loop3A_274, %parallel_loop3A_275] : memref<2x128x32xf32, #tpu.memory_space<vmem>> -> memref<1x128x32xf32, #tpu.memory_space<vmem>>
        %parallel_loop3A_277 = tpu.memref_squeeze %parallel_loop3A_276 : memref<1x128x32xf32, #tpu.memory_space<vmem>> -> memref<128x32xf32, #tpu.memory_space<vmem>>
        %parallel_loop3A_278 = tpu.vector_load_idx %parallel_loop3A_277[%parallel_loop3A_260, %parallel_loop3A_266] : memref<128x32xf32, #tpu.memory_space<vmem>>[vector<16xi32>, vector<16xi32>], vector<16xf32>,
        %parallel_loop3A_279 = arith.addf %parallel_loop3A_272, %parallel_loop3A_278 : vector<16xf32>
        %parallel_loop3A_280 = arith.constant 6 : i32
        %parallel_loop3A_281 = arith.shrsi %parallel_loop3A_254, %parallel_loop3A_280 : i32
        %parallel_loop3A_282 = arith.constant 3 : i32
        %parallel_loop3A_283 = arith.shrsi %parallel_loop3A_254, %parallel_loop3A_282 : i32
        %parallel_loop3A_284 = arith.constant 7 : i32
        %parallel_loop3A_285 = arith.andi %parallel_loop3A_283, %parallel_loop3A_284 : i32
        %parallel_loop3A_286 = arith.constant 7 : i32
        %parallel_loop3A_287 = arith.andi %parallel_loop3A_254, %parallel_loop3A_286 : i32
        %parallel_loop3A_288 = arith.constant 16 : i32
        %parallel_loop3A_289 = arith.muli %parallel_loop3A_287, %parallel_loop3A_288 : i32
        %parallel_loop3A_290 = arith.constant 0 : i32
        %parallel_loop3A_291 = arith.index_cast %parallel_loop3A_290 : i32 to index
        %parallel_loop3A_292 = arith.index_cast %parallel_loop3A_281 : i32 to index
        %parallel_loop3A_293 = arith.index_cast %parallel_loop3A_285 : i32 to index
        %parallel_loop3A_294 = arith.index_cast %parallel_loop3A_289 : i32 to index
        %parallel_loop3A_295 = tpu.vector_load %arg11[%parallel_loop3A_291, %parallel_loop3A_292, %parallel_loop3A_293, %parallel_loop3A_294] {strides = array<i32>} : memref<2x4x8x128xf32, #tpu.memory_space<vmem>>, vector<16xf32>,
        tpu.vector_store %arg11[%parallel_loop3A_291, %parallel_loop3A_292, %parallel_loop3A_293, %parallel_loop3A_294], %parallel_loop3A_279 {strides = array<i32>} : memref<2x4x8x128xf32, #tpu.memory_space<vmem>>, vector<16xf32>,
      } {sc.loop_unroll_factor = 16 : i64, sc.parallel_access}
      %shift_right_arithmetic3A = arith.constant 7 : i32
      %shift_right_arithmetic3A_148 = arith.shrsi %add3A_113, %shift_right_arithmetic3A : i32
      %and3A = arith.constant 127 : i32
      %and3A_149 = arith.andi %add3A_113, %and3A : i32
      %dma_start3A_150 = arith.constant 0 : i32
      %dma_start3A_151 = arith.constant 0 : i32
      %dma_start3A_152 = arith.constant 0 : i32
      %dma_start3A_153 = arith.constant 0 : i32
      %dma_start3A_154 = tpu.memref_slice %arg11[%dma_start3A_150, %dma_start3A_151, %dma_start3A_152, %dma_start3A_153] : memref<2x4x8x128xf32, #tpu.memory_space<vmem>> -> memref<1x4x8x128xf32, #tpu.memory_space<vmem>>
      %dma_start3A_155 = tpu.memref_squeeze %dma_start3A_154 : memref<1x4x8x128xf32, #tpu.memory_space<vmem>> -> memref<4x8x128xf32, #tpu.memory_space<vmem>>
      %dma_start3A_156 = arith.constant 0 : i32
      %dma_start3A_157 = arith.constant 0 : i32
      %dma_start3A_158 = arith.constant 0 : i32
      %dma_start3A_159 = tpu.memref_slice %arg6[%shift_right_arithmetic3A_148, %dma_start3A_156, %and3A_149, %dma_start3A_157, %dma_start3A_158] : memref<50x4x128x8x128xf32, #tpu.memory_space<hbm>> -> memref<1x4x1x8x128xf32, #tpu.memory_space<hbm>>
      %dma_start3A_160 = tpu.memref_squeeze %dma_start3A_159 : memref<1x4x1x8x128xf32, #tpu.memory_space<hbm>> -> memref<4x8x128xf32, #tpu.memory_space<hbm>>
      %dma_start3A_161 = arith.constant 0 : i32
      %dma_start3A_162 = arith.constant 0 : i32
      %dma_start3A_163 = arith.constant 0 : i32
      %dma_start3A_164 = tpu.memref_slice %arg6[%shift_right_arithmetic3A_148, %dma_start3A_161, %and3A_149, %dma_start3A_162, %dma_start3A_163] : memref<50x4x128x8x128xf32, #tpu.memory_space<hbm>> -> memref<1x4x1x8x128xf32, #tpu.memory_space<hbm>>
      %dma_start3A_165 = tpu.memref_squeeze %dma_start3A_164 : memref<1x4x1x8x128xf32, #tpu.memory_space<hbm>> -> memref<4x8x128xf32, #tpu.memory_space<hbm>>
      %dma_start3A_166 = arith.constant 0 : i32
      %dma_start3A_167 = arith.constant 0 : i32
      %dma_start3A_168 = arith.constant 0 : i32
      %dma_start3A_169 = tpu.memref_slice %arg11[%dma_start3A_150, %dma_start3A_166, %dma_start3A_167, %dma_start3A_168] : memref<2x4x8x128xf32, #tpu.memory_space<vmem>> -> memref<1x4x8x128xf32, #tpu.memory_space<vmem>>
      %dma_start3A_170 = tpu.memref_squeeze %dma_start3A_169 : memref<1x4x8x128xf32, #tpu.memory_space<vmem>> -> memref<4x8x128xf32, #tpu.memory_space<vmem>>
      tpu.enqueue_dma source(%dma_start3A_170 : memref<4x8x128xf32, #tpu.memory_space<vmem>>) target(%dma_start3A_165 : memref<4x8x128xf32, #tpu.memory_space<hbm>>) target_semaphore(%arg16 : memref<!tpu.dma_semaphore, #tpu.memory_space<semaphore_mem>>)
      %add3A_171 = arith.constant 2 : i32
      %add3A_172 = arith.addi %add3A_112, %add3A_171 : i32
      %lt3A_173 = arith.constant 200 : i32
      %lt3A_174 = arith.cmpi slt, %add3A_172, %lt3A_173 : i32
      %convert_element_type3A_175 = arith.extui %lt3A_174 : i1 to i32
      %cond3A_176 = arith.constant 0 : i32
      %cond3A_177 = arith.cmpi ne, %convert_element_type3A_175, %cond3A_176 : i32
      scf.if %cond3A_177 {
        %add3A_254 = arith.constant 2 : i32
        %add3A_255 = arith.addi %add3A_113, %add3A_254 : i32
        %mul3A_256 = arith.constant 128 : i32
        %mul3A_257 = arith.muli %add3A_255, %mul3A_256 : i32
        %dma_start3A_258 = arith.constant 0 : i32
        %dma_start3A_259 = arith.constant 0 : i32
        %dma_start3A_260 = tpu.memref_slice %arg7[%dma_start3A_258, %dma_start3A_259] : memref<2x128xi32, #tpu.memory_space<vmem>> -> memref<1x128xi32, #tpu.memory_space<vmem>>
        %dma_start3A_261 = tpu.memref_squeeze %dma_start3A_260 : memref<1x128xi32, #tpu.memory_space<vmem>> -> memref<128xi32, #tpu.memory_space<vmem>>
        %dma_start3A_262 = tpu.memref_slice %arg2[%mul3A_257] : memref<819200xi32, #tpu.memory_space<hbm>> -> memref<128xi32, #tpu.memory_space<hbm>>
        %dma_start3A_263 = arith.constant 0 : i32
        %dma_start3A_264 = tpu.memref_slice %arg7[%dma_start3A_258, %dma_start3A_263] : memref<2x128xi32, #tpu.memory_space<vmem>> -> memref<1x128xi32, #tpu.memory_space<vmem>>
        %dma_start3A_265 = tpu.memref_squeeze %dma_start3A_264 : memref<1x128xi32, #tpu.memory_space<vmem>> -> memref<128xi32, #tpu.memory_space<vmem>>
        %dma_start3A_266 = tpu.memref_slice %arg2[%mul3A_257] : memref<819200xi32, #tpu.memory_space<hbm>> -> memref<128xi32, #tpu.memory_space<hbm>>
        tpu.enqueue_dma source(%dma_start3A_266 : memref<128xi32, #tpu.memory_space<hbm>>) target(%dma_start3A_265 : memref<128xi32, #tpu.memory_space<vmem>>) target_semaphore(%arg14 : memref<!tpu.dma_semaphore, #tpu.memory_space<semaphore_mem>>)
        %mul3A_267 = arith.constant 128 : i32
        %mul3A_268 = arith.muli %add3A_255, %mul3A_267 : i32
        %dma_start3A_269 = arith.constant 0 : i32
        %dma_start3A_270 = arith.constant 0 : i32
        %dma_start3A_271 = tpu.memref_slice %arg8[%dma_start3A_269, %dma_start3A_270] : memref<2x128xi32, #tpu.memory_space<vmem>> -> memref<1x128xi32, #tpu.memory_space<vmem>>
        %dma_start3A_272 = tpu.memref_squeeze %dma_start3A_271 : memref<1x128xi32, #tpu.memory_space<vmem>> -> memref<128xi32, #tpu.memory_space<vmem>>
        %dma_start3A_273 = tpu.memref_slice %arg3[%mul3A_268] : memref<819200xi32, #tpu.memory_space<hbm>> -> memref<128xi32, #tpu.memory_space<hbm>>
        %dma_start3A_274 = arith.constant 0 : i32
        %dma_start3A_275 = tpu.memref_slice %arg8[%dma_start3A_269, %dma_start3A_274] : memref<2x128xi32, #tpu.memory_space<vmem>> -> memref<1x128xi32, #tpu.memory_space<vmem>>
        %dma_start3A_276 = tpu.memref_squeeze %dma_start3A_275 : memref<1x128xi32, #tpu.memory_space<vmem>> -> memref<128xi32, #tpu.memory_space<vmem>>
        %dma_start3A_277 = tpu.memref_slice %arg3[%mul3A_268] : memref<819200xi32, #tpu.memory_space<hbm>> -> memref<128xi32, #tpu.memory_space<hbm>>
        tpu.enqueue_dma source(%dma_start3A_277 : memref<128xi32, #tpu.memory_space<hbm>>) target(%dma_start3A_276 : memref<128xi32, #tpu.memory_space<vmem>>) target_semaphore(%arg14 : memref<!tpu.dma_semaphore, #tpu.memory_space<semaphore_mem>>)
      } else {
      }
      %mul3A_178 = arith.constant 2 : i32
      %mul3A_179 = arith.muli %mul3A_178, %add3A_108 : i32
      %add3A_180 = arith.constant 1 : i32
      %add3A_181 = arith.addi %mul3A_179, %add3A_180 : i32
      %add3A_182 = arith.addi %mul3A_2, %add3A_181 : i32
      %add3A_183 = arith.constant 1 : i32
      %add3A_184 = arith.addi %add3A_181, %add3A_183 : i32
      %lt3A_185 = arith.constant 200 : i32
      %lt3A_186 = arith.cmpi slt, %add3A_184, %lt3A_185 : i32
      %convert_element_type3A_187 = arith.extui %lt3A_186 : i1 to i32
      %cond3A_188 = arith.constant 0 : i32
      %cond3A_189 = arith.cmpi ne, %convert_element_type3A_187, %cond3A_188 : i32
      scf.if %cond3A_189 {
        %dma_wait3A_254 = arith.constant 0 : i32
        %dma_wait3A_255 = arith.constant 0 : i32
        %dma_wait3A_256 = tpu.memref_slice %arg7[%dma_wait3A_254, %dma_wait3A_255] : memref<2x128xi32, #tpu.memory_space<vmem>> -> memref<1x128xi32, #tpu.memory_space<vmem>>
        %dma_wait3A_257 = tpu.memref_squeeze %dma_wait3A_256 : memref<1x128xi32, #tpu.memory_space<vmem>> -> memref<128xi32, #tpu.memory_space<vmem>>
        %dma_wait3A_258 = arith.constant 0 : i32
        %dma_wait3A_259 = tpu.memref_slice %arg2[%dma_wait3A_258] : memref<819200xi32, #tpu.memory_space<hbm>> -> memref<128xi32, #tpu.memory_space<hbm>>
        %dma_wait3A_260 = arith.constant 0 : i32
        %dma_wait3A_261 = tpu.memref_slice %arg7[%dma_wait3A_254, %dma_wait3A_260] : memref<2x128xi32, #tpu.memory_space<vmem>> -> memref<1x128xi32, #tpu.memory_space<vmem>>
        %dma_wait3A_262 = tpu.memref_squeeze %dma_wait3A_261 : memref<1x128xi32, #tpu.memory_space<vmem>> -> memref<128xi32, #tpu.memory_space<vmem>>
        %dma_wait3A_263 = arith.constant 0 : i32
        %dma_wait3A_264 = tpu.memref_slice %arg2[%dma_wait3A_263] : memref<819200xi32, #tpu.memory_space<hbm>> -> memref<128xi32, #tpu.memory_space<hbm>>
        tpu.wait_dma2 semaphore(%arg14 : memref<!tpu.dma_semaphore, #tpu.memory_space<semaphore_mem>>) src(%dma_wait3A_264 : memref<128xi32, #tpu.memory_space<hbm>>) dst(%dma_wait3A_262 : memref<128xi32, #tpu.memory_space<vmem>>)
        %dma_wait3A_265 = arith.constant 0 : i32
        %dma_wait3A_266 = arith.constant 0 : i32
        %dma_wait3A_267 = tpu.memref_slice %arg8[%dma_wait3A_265, %dma_wait3A_266] : memref<2x128xi32, #tpu.memory_space<vmem>> -> memref<1x128xi32, #tpu.memory_space<vmem>>
        %dma_wait3A_268 = tpu.memref_squeeze %dma_wait3A_267 : memref<1x128xi32, #tpu.memory_space<vmem>> -> memref<128xi32, #tpu.memory_space<vmem>>
        %dma_wait3A_269 = arith.constant 0 : i32
        %dma_wait3A_270 = tpu.memref_slice %arg3[%dma_wait3A_269] : memref<819200xi32, #tpu.memory_space<hbm>> -> memref<128xi32, #tpu.memory_space<hbm>>
        %dma_wait3A_271 = arith.constant 0 : i32
        %dma_wait3A_272 = tpu.memref_slice %arg8[%dma_wait3A_265, %dma_wait3A_271] : memref<2x128xi32, #tpu.memory_space<vmem>> -> memref<1x128xi32, #tpu.memory_space<vmem>>
        %dma_wait3A_273 = tpu.memref_squeeze %dma_wait3A_272 : memref<1x128xi32, #tpu.memory_space<vmem>> -> memref<128xi32, #tpu.memory_space<vmem>>
        %dma_wait3A_274 = arith.constant 0 : i32
        %dma_wait3A_275 = tpu.memref_slice %arg3[%dma_wait3A_274] : memref<819200xi32, #tpu.memory_space<hbm>> -> memref<128xi32, #tpu.memory_space<hbm>>
        tpu.wait_dma2 semaphore(%arg14 : memref<!tpu.dma_semaphore, #tpu.memory_space<semaphore_mem>>) src(%dma_wait3A_275 : memref<128xi32, #tpu.memory_space<hbm>>) dst(%dma_wait3A_273 : memref<128xi32, #tpu.memory_space<vmem>>)
        %dma_start3A_276 = arith.constant 0 : i32
        %dma_start3A_277 = arith.constant 0 : i32
        %dma_start3A_278 = arith.constant 0 : i32
        %dma_start3A_279 = arith.constant 0 : i32
        %dma_start3A_280 = tpu.memref_slice %arg9[%dma_start3A_277, %dma_start3A_278, %dma_start3A_279] : memref<2x128x32xf32, #tpu.memory_space<vmem>> -> memref<1x128x32xf32, #tpu.memory_space<vmem>>
        %dma_start3A_281 = tpu.memref_squeeze %dma_start3A_280 : memref<1x128x32xf32, #tpu.memory_space<vmem>> -> memref<128x32xf32, #tpu.memory_space<vmem>>
        %dma_start3A_282 = arith.constant 0 : i32
        %dma_start3A_283 = tpu.memref_slice %arg7[%dma_start3A_276, %dma_start3A_282] : memref<2x128xi32, #tpu.memory_space<vmem>> -> memref<1x128xi32, #tpu.memory_space<vmem>>
        %dma_start3A_284 = tpu.memref_squeeze %dma_start3A_283 : memref<1x128xi32, #tpu.memory_space<vmem>> -> memref<128xi32, #tpu.memory_space<vmem>>
        %dma_start3A_285 = arith.constant 0 : i32
        %dma_start3A_286 = arith.constant 0 : i32
        %dma_start3A_287 = tpu.memref_slice %arg4[%dma_start3A_285, %dma_start3A_286] : memref<1000000x32xf32, #tpu.memory_space<hbm>> -> memref<1000000x32xf32, #tpu.memory_space<hbm>>
        tpu.enqueue_indirect_dma source(%dma_start3A_287 : memref<1000000x32xf32, #tpu.memory_space<hbm>>) target(%dma_start3A_281 : memref<128x32xf32, #tpu.memory_space<vmem>>) offsets(%dma_start3A_284 : memref<128xi32, #tpu.memory_space<vmem>>) semaphore(%arg12 : memref<!tpu.dma_semaphore, #tpu.memory_space<semaphore_mem>>)
        %dma_start3A_288 = arith.constant 0 : i32
        %dma_start3A_289 = arith.constant 0 : i32
        %dma_start3A_290 = arith.constant 0 : i32
        %dma_start3A_291 = arith.constant 0 : i32
        %dma_start3A_292 = tpu.memref_slice %arg10[%dma_start3A_289, %dma_start3A_290, %dma_start3A_291] : memref<2x128x32xf32, #tpu.memory_space<vmem>> -> memref<1x128x32xf32, #tpu.memory_space<vmem>>
        %dma_start3A_293 = tpu.memref_squeeze %dma_start3A_292 : memref<1x128x32xf32, #tpu.memory_space<vmem>> -> memref<128x32xf32, #tpu.memory_space<vmem>>
        %dma_start3A_294 = arith.constant 0 : i32
        %dma_start3A_295 = tpu.memref_slice %arg8[%dma_start3A_288, %dma_start3A_294] : memref<2x128xi32, #tpu.memory_space<vmem>> -> memref<1x128xi32, #tpu.memory_space<vmem>>
        %dma_start3A_296 = tpu.memref_squeeze %dma_start3A_295 : memref<1x128xi32, #tpu.memory_space<vmem>> -> memref<128xi32, #tpu.memory_space<vmem>>
        %dma_start3A_297 = arith.constant 0 : i32
        %dma_start3A_298 = arith.constant 0 : i32
        %dma_start3A_299 = tpu.memref_slice %arg5[%dma_start3A_297, %dma_start3A_298] : memref<1000000x32xf32, #tpu.memory_space<hbm>> -> memref<1000000x32xf32, #tpu.memory_space<hbm>>
        tpu.enqueue_indirect_dma source(%dma_start3A_299 : memref<1000000x32xf32, #tpu.memory_space<hbm>>) target(%dma_start3A_293 : memref<128x32xf32, #tpu.memory_space<vmem>>) offsets(%dma_start3A_296 : memref<128xi32, #tpu.memory_space<vmem>>) semaphore(%arg12 : memref<!tpu.dma_semaphore, #tpu.memory_space<semaphore_mem>>)
      } else {
      }
      %dma_wait3A_190 = arith.constant 1 : i32
      %dma_wait3A_191 = arith.constant 1 : i32
      %dma_wait3A_192 = arith.constant 0 : i32
      %dma_wait3A_193 = arith.constant 0 : i32
      %dma_wait3A_194 = tpu.memref_slice %arg9[%dma_wait3A_191, %dma_wait3A_192, %dma_wait3A_193] : memref<2x128x32xf32, #tpu.memory_space<vmem>> -> memref<1x128x32xf32, #tpu.memory_space<vmem>>
      %dma_wait3A_195 = tpu.memref_squeeze %dma_wait3A_194 : memref<1x128x32xf32, #tpu.memory_space<vmem>> -> memref<128x32xf32, #tpu.memory_space<vmem>>
      %dma_wait3A_196 = arith.constant 0 : i32
      %dma_wait3A_197 = tpu.memref_slice %arg7[%dma_wait3A_190, %dma_wait3A_196] : memref<2x128xi32, #tpu.memory_space<vmem>> -> memref<1x128xi32, #tpu.memory_space<vmem>>
      %dma_wait3A_198 = tpu.memref_squeeze %dma_wait3A_197 : memref<1x128xi32, #tpu.memory_space<vmem>> -> memref<128xi32, #tpu.memory_space<vmem>>
      %dma_wait3A_199 = arith.constant 0 : i32
      %dma_wait3A_200 = arith.constant 0 : i32
      %dma_wait3A_201 = tpu.memref_slice %arg4[%dma_wait3A_199, %dma_wait3A_200] : memref<1000000x32xf32, #tpu.memory_space<hbm>> -> memref<1000000x32xf32, #tpu.memory_space<hbm>>
      tpu.wait_indirect_dma semaphore(%arg13 : memref<!tpu.dma_semaphore, #tpu.memory_space<semaphore_mem>>) src(%dma_wait3A_201 : memref<1000000x32xf32, #tpu.memory_space<hbm>>) dst(%dma_wait3A_195 : memref<128x32xf32, #tpu.memory_space<vmem>>)
      %dma_wait3A_202 = arith.constant 1 : i32
      %dma_wait3A_203 = arith.constant 1 : i32
      %dma_wait3A_204 = arith.constant 0 : i32
      %dma_wait3A_205 = arith.constant 0 : i32
      %dma_wait3A_206 = tpu.memref_slice %arg10[%dma_wait3A_203, %dma_wait3A_204, %dma_wait3A_205] : memref<2x128x32xf32, #tpu.memory_space<vmem>> -> memref<1x128x32xf32, #tpu.memory_space<vmem>>
      %dma_wait3A_207 = tpu.memref_squeeze %dma_wait3A_206 : memref<1x128x32xf32, #tpu.memory_space<vmem>> -> memref<128x32xf32, #tpu.memory_space<vmem>>
      %dma_wait3A_208 = arith.constant 0 : i32
      %dma_wait3A_209 = tpu.memref_slice %arg8[%dma_wait3A_202, %dma_wait3A_208] : memref<2x128xi32, #tpu.memory_space<vmem>> -> memref<1x128xi32, #tpu.memory_space<vmem>>
      %dma_wait3A_210 = tpu.memref_squeeze %dma_wait3A_209 : memref<1x128xi32, #tpu.memory_space<vmem>> -> memref<128xi32, #tpu.memory_space<vmem>>
      %dma_wait3A_211 = arith.constant 0 : i32
      %dma_wait3A_212 = arith.constant 0 : i32
      %dma_wait3A_213 = tpu.memref_slice %arg5[%dma_wait3A_211, %dma_wait3A_212] : memref<1000000x32xf32, #tpu.memory_space<hbm>> -> memref<1000000x32xf32, #tpu.memory_space<hbm>>
      tpu.wait_indirect_dma semaphore(%arg13 : memref<!tpu.dma_semaphore, #tpu.memory_space<semaphore_mem>>) src(%dma_wait3A_213 : memref<1000000x32xf32, #tpu.memory_space<hbm>>) dst(%dma_wait3A_207 : memref<128x32xf32, #tpu.memory_space<vmem>>)
      %ge3A_214 = arith.constant 2 : i32
      %ge3A_215 = arith.cmpi sge, %add3A_181, %ge3A_214 : i32
      %convert_element_type3A_216 = arith.extui %ge3A_215 : i1 to i32
      %cond3A_217 = arith.constant 0 : i32
      %cond3A_218 = arith.cmpi ne, %convert_element_type3A_216, %cond3A_217 : i32
      scf.if %cond3A_218 {
        %dma_wait3A_254 = arith.constant 1 : i32
        %dma_wait3A_255 = arith.constant 0 : i32
        %dma_wait3A_256 = arith.constant 0 : i32
        %dma_wait3A_257 = arith.constant 0 : i32
        %dma_wait3A_258 = arith.constant 0 : i32
        %dma_wait3A_259 = arith.constant 0 : i32
        %dma_wait3A_260 = tpu.memref_slice %arg11[%dma_wait3A_254, %dma_wait3A_257, %dma_wait3A_258, %dma_wait3A_259] : memref<2x4x8x128xf32, #tpu.memory_space<vmem>> -> memref<1x4x8x128xf32, #tpu.memory_space<vmem>>
        %dma_wait3A_261 = tpu.memref_squeeze %dma_wait3A_260 : memref<1x4x8x128xf32, #tpu.memory_space<vmem>> -> memref<4x8x128xf32, #tpu.memory_space<vmem>>
        %dma_wait3A_262 = arith.constant 0 : i32
        %dma_wait3A_263 = arith.constant 0 : i32
        %dma_wait3A_264 = arith.constant 0 : i32
        %dma_wait3A_265 = tpu.memref_slice %arg6[%dma_wait3A_255, %dma_wait3A_262, %dma_wait3A_256, %dma_wait3A_263, %dma_wait3A_264] : memref<50x4x128x8x128xf32, #tpu.memory_space<hbm>> -> memref<1x4x1x8x128xf32, #tpu.memory_space<hbm>>
        %dma_wait3A_266 = tpu.memref_squeeze %dma_wait3A_265 : memref<1x4x1x8x128xf32, #tpu.memory_space<hbm>> -> memref<4x8x128xf32, #tpu.memory_space<hbm>>
        %dma_wait3A_267 = arith.constant 0 : i32
        %dma_wait3A_268 = arith.constant 0 : i32
        %dma_wait3A_269 = arith.constant 0 : i32
        %dma_wait3A_270 = tpu.memref_slice %arg6[%dma_wait3A_255, %dma_wait3A_267, %dma_wait3A_256, %dma_wait3A_268, %dma_wait3A_269] : memref<50x4x128x8x128xf32, #tpu.memory_space<hbm>> -> memref<1x4x1x8x128xf32, #tpu.memory_space<hbm>>
        %dma_wait3A_271 = tpu.memref_squeeze %dma_wait3A_270 : memref<1x4x1x8x128xf32, #tpu.memory_space<hbm>> -> memref<4x8x128xf32, #tpu.memory_space<hbm>>
        %dma_wait3A_272 = arith.constant 0 : i32
        %dma_wait3A_273 = arith.constant 0 : i32
        %dma_wait3A_274 = arith.constant 0 : i32
        %dma_wait3A_275 = tpu.memref_slice %arg11[%dma_wait3A_254, %dma_wait3A_272, %dma_wait3A_273, %dma_wait3A_274] : memref<2x4x8x128xf32, #tpu.memory_space<vmem>> -> memref<1x4x8x128xf32, #tpu.memory_space<vmem>>
        %dma_wait3A_276 = tpu.memref_squeeze %dma_wait3A_275 : memref<1x4x8x128xf32, #tpu.memory_space<vmem>> -> memref<4x8x128xf32, #tpu.memory_space<vmem>>
        tpu.wait_dma2 semaphore(%arg17 : memref<!tpu.dma_semaphore, #tpu.memory_space<semaphore_mem>>) src(%dma_wait3A_276 : memref<4x8x128xf32, #tpu.memory_space<vmem>>) dst(%dma_wait3A_271 : memref<4x8x128xf32, #tpu.memory_space<hbm>>)
      } else {
      }
      %parallel_loop3A_219 = arith.constant 0 : i32
      %parallel_loop3A_220 = arith.constant 256 : i32
      %parallel_loop3A_221 = arith.constant 1 : i32
      scf.for %parallel_loop3A_254 = %parallel_loop3A_219 to %parallel_loop3A_220 step %parallel_loop3A_221  : i32 {
        %parallel_loop3A_255 = arith.constant 7 : i32
        %parallel_loop3A_256 = arith.andi %parallel_loop3A_254, %parallel_loop3A_255 : i32
        %parallel_loop3A_257 = arith.constant 4 : i32
        %parallel_loop3A_258 = arith.shli %parallel_loop3A_256, %parallel_loop3A_257 : i32
        %parallel_loop3A_259 = vector.broadcast %parallel_loop3A_258 : i32 to vector<16xi32>
        %parallel_loop3A_260 = arith.addi %iota3A, %parallel_loop3A_259 : vector<16xi32>
        %parallel_loop3A_261 = arith.constant 0 : i32
        %parallel_loop3A_262 = vector.broadcast %parallel_loop3A_261 : i32 to vector<16xi32>
        %parallel_loop3A_263 = arith.constant 3 : i32
        %parallel_loop3A_264 = arith.shrsi %parallel_loop3A_254, %parallel_loop3A_263 : i32
        %parallel_loop3A_265 = vector.broadcast %parallel_loop3A_264 : i32 to vector<16xi32>
        %parallel_loop3A_266 = arith.addi %parallel_loop3A_262, %parallel_loop3A_265 : vector<16xi32>
        %parallel_loop3A_267 = arith.constant 1 : i32
        %parallel_loop3A_268 = arith.constant 0 : i32
        %parallel_loop3A_269 = arith.constant 0 : i32
        %parallel_loop3A_270 = tpu.memref_slice %arg9[%parallel_loop3A_267, %parallel_loop3A_268, %parallel_loop3A_269] : memref<2x128x32xf32, #tpu.memory_space<vmem>> -> memref<1x128x32xf32, #tpu.memory_space<vmem>>
        %parallel_loop3A_271 = tpu.memref_squeeze %parallel_loop3A_270 : memref<1x128x32xf32, #tpu.memory_space<vmem>> -> memref<128x32xf32, #tpu.memory_space<vmem>>
        %parallel_loop3A_272 = tpu.vector_load_idx %parallel_loop3A_271[%parallel_loop3A_260, %parallel_loop3A_266] : memref<128x32xf32, #tpu.memory_space<vmem>>[vector<16xi32>, vector<16xi32>], vector<16xf32>,
        %parallel_loop3A_273 = arith.constant 1 : i32
        %parallel_loop3A_274 = arith.constant 0 : i32
        %parallel_loop3A_275 = arith.constant 0 : i32
        %parallel_loop3A_276 = tpu.memref_slice %arg10[%parallel_loop3A_273, %parallel_loop3A_274, %parallel_loop3A_275] : memref<2x128x32xf32, #tpu.memory_space<vmem>> -> memref<1x128x32xf32, #tpu.memory_space<vmem>>
        %parallel_loop3A_277 = tpu.memref_squeeze %parallel_loop3A_276 : memref<1x128x32xf32, #tpu.memory_space<vmem>> -> memref<128x32xf32, #tpu.memory_space<vmem>>
        %parallel_loop3A_278 = tpu.vector_load_idx %parallel_loop3A_277[%parallel_loop3A_260, %parallel_loop3A_266] : memref<128x32xf32, #tpu.memory_space<vmem>>[vector<16xi32>, vector<16xi32>], vector<16xf32>,
        %parallel_loop3A_279 = arith.addf %parallel_loop3A_272, %parallel_loop3A_278 : vector<16xf32>
        %parallel_loop3A_280 = arith.constant 6 : i32
        %parallel_loop3A_281 = arith.shrsi %parallel_loop3A_254, %parallel_loop3A_280 : i32
        %parallel_loop3A_282 = arith.constant 3 : i32
        %parallel_loop3A_283 = arith.shrsi %parallel_loop3A_254, %parallel_loop3A_282 : i32
        %parallel_loop3A_284 = arith.constant 7 : i32
        %parallel_loop3A_285 = arith.andi %parallel_loop3A_283, %parallel_loop3A_284 : i32
        %parallel_loop3A_286 = arith.constant 7 : i32
        %parallel_loop3A_287 = arith.andi %parallel_loop3A_254, %parallel_loop3A_286 : i32
        %parallel_loop3A_288 = arith.constant 16 : i32
        %parallel_loop3A_289 = arith.muli %parallel_loop3A_287, %parallel_loop3A_288 : i32
        %parallel_loop3A_290 = arith.constant 1 : i32
        %parallel_loop3A_291 = arith.index_cast %parallel_loop3A_290 : i32 to index
        %parallel_loop3A_292 = arith.index_cast %parallel_loop3A_281 : i32 to index
        %parallel_loop3A_293 = arith.index_cast %parallel_loop3A_285 : i32 to index
        %parallel_loop3A_294 = arith.index_cast %parallel_loop3A_289 : i32 to index
        %parallel_loop3A_295 = tpu.vector_load %arg11[%parallel_loop3A_291, %parallel_loop3A_292, %parallel_loop3A_293, %parallel_loop3A_294] {strides = array<i32>} : memref<2x4x8x128xf32, #tpu.memory_space<vmem>>, vector<16xf32>,
        tpu.vector_store %arg11[%parallel_loop3A_291, %parallel_loop3A_292, %parallel_loop3A_293, %parallel_loop3A_294], %parallel_loop3A_279 {strides = array<i32>} : memref<2x4x8x128xf32, #tpu.memory_space<vmem>>, vector<16xf32>,
      } {sc.loop_unroll_factor = 16 : i64, sc.parallel_access}
      %shift_right_arithmetic3A_222 = arith.constant 7 : i32
      %shift_right_arithmetic3A_223 = arith.shrsi %add3A_182, %shift_right_arithmetic3A_222 : i32
      %and3A_224 = arith.constant 127 : i32
      %and3A_225 = arith.andi %add3A_182, %and3A_224 : i32
      %dma_start3A_226 = arith.constant 1 : i32
      %dma_start3A_227 = arith.constant 0 : i32
      %dma_start3A_228 = arith.constant 0 : i32
      %dma_start3A_229 = arith.constant 0 : i32
      %dma_start3A_230 = tpu.memref_slice %arg11[%dma_start3A_226, %dma_start3A_227, %dma_start3A_228, %dma_start3A_229] : memref<2x4x8x128xf32, #tpu.memory_space<vmem>> -> memref<1x4x8x128xf32, #tpu.memory_space<vmem>>
      %dma_start3A_231 = tpu.memref_squeeze %dma_start3A_230 : memref<1x4x8x128xf32, #tpu.memory_space<vmem>> -> memref<4x8x128xf32, #tpu.memory_space<vmem>>
      %dma_start3A_232 = arith.constant 0 : i32
      %dma_start3A_233 = arith.constant 0 : i32
      %dma_start3A_234 = arith.constant 0 : i32
      %dma_start3A_235 = tpu.memref_slice %arg6[%shift_right_arithmetic3A_223, %dma_start3A_232, %and3A_225, %dma_start3A_233, %dma_start3A_234] : memref<50x4x128x8x128xf32, #tpu.memory_space<hbm>> -> memref<1x4x1x8x128xf32, #tpu.memory_space<hbm>>
      %dma_start3A_236 = tpu.memref_squeeze %dma_start3A_235 : memref<1x4x1x8x128xf32, #tpu.memory_space<hbm>> -> memref<4x8x128xf32, #tpu.memory_space<hbm>>
      %dma_start3A_237 = arith.constant 0 : i32
      %dma_start3A_238 = arith.constant 0 : i32
      %dma_start3A_239 = arith.constant 0 : i32
      %dma_start3A_240 = tpu.memref_slice %arg6[%shift_right_arithmetic3A_223, %dma_start3A_237, %and3A_225, %dma_start3A_238, %dma_start3A_239] : memref<50x4x128x8x128xf32, #tpu.memory_space<hbm>> -> memref<1x4x1x8x128xf32, #tpu.memory_space<hbm>>
      %dma_start3A_241 = tpu.memref_squeeze %dma_start3A_240 : memref<1x4x1x8x128xf32, #tpu.memory_space<hbm>> -> memref<4x8x128xf32, #tpu.memory_space<hbm>>
      %dma_start3A_242 = arith.constant 0 : i32
      %dma_start3A_243 = arith.constant 0 : i32
      %dma_start3A_244 = arith.constant 0 : i32
      %dma_start3A_245 = tpu.memref_slice %arg11[%dma_start3A_226, %dma_start3A_242, %dma_start3A_243, %dma_start3A_244] : memref<2x4x8x128xf32, #tpu.memory_space<vmem>> -> memref<1x4x8x128xf32, #tpu.memory_space<vmem>>
      %dma_start3A_246 = tpu.memref_squeeze %dma_start3A_245 : memref<1x4x8x128xf32, #tpu.memory_space<vmem>> -> memref<4x8x128xf32, #tpu.memory_space<vmem>>
      tpu.enqueue_dma source(%dma_start3A_246 : memref<4x8x128xf32, #tpu.memory_space<vmem>>) target(%dma_start3A_241 : memref<4x8x128xf32, #tpu.memory_space<hbm>>) target_semaphore(%arg17 : memref<!tpu.dma_semaphore, #tpu.memory_space<semaphore_mem>>)
      %add3A_247 = arith.constant 2 : i32
      %add3A_248 = arith.addi %add3A_181, %add3A_247 : i32
      %lt3A_249 = arith.constant 200 : i32
      %lt3A_250 = arith.cmpi slt, %add3A_248, %lt3A_249 : i32
      %convert_element_type3A_251 = arith.extui %lt3A_250 : i1 to i32
      %cond3A_252 = arith.constant 0 : i32
      %cond3A_253 = arith.cmpi ne, %convert_element_type3A_251, %cond3A_252 : i32
      scf.if %cond3A_253 {
        %add3A_254 = arith.constant 2 : i32
        %add3A_255 = arith.addi %add3A_182, %add3A_254 : i32
        %mul3A_256 = arith.constant 128 : i32
        %mul3A_257 = arith.muli %add3A_255, %mul3A_256 : i32
        %dma_start3A_258 = arith.constant 1 : i32
        %dma_start3A_259 = arith.constant 0 : i32
        %dma_start3A_260 = tpu.memref_slice %arg7[%dma_start3A_258, %dma_start3A_259] : memref<2x128xi32, #tpu.memory_space<vmem>> -> memref<1x128xi32, #tpu.memory_space<vmem>>
        %dma_start3A_261 = tpu.memref_squeeze %dma_start3A_260 : memref<1x128xi32, #tpu.memory_space<vmem>> -> memref<128xi32, #tpu.memory_space<vmem>>
        %dma_start3A_262 = tpu.memref_slice %arg2[%mul3A_257] : memref<819200xi32, #tpu.memory_space<hbm>> -> memref<128xi32, #tpu.memory_space<hbm>>
        %dma_start3A_263 = arith.constant 0 : i32
        %dma_start3A_264 = tpu.memref_slice %arg7[%dma_start3A_258, %dma_start3A_263] : memref<2x128xi32, #tpu.memory_space<vmem>> -> memref<1x128xi32, #tpu.memory_space<vmem>>
        %dma_start3A_265 = tpu.memref_squeeze %dma_start3A_264 : memref<1x128xi32, #tpu.memory_space<vmem>> -> memref<128xi32, #tpu.memory_space<vmem>>
        %dma_start3A_266 = tpu.memref_slice %arg2[%mul3A_257] : memref<819200xi32, #tpu.memory_space<hbm>> -> memref<128xi32, #tpu.memory_space<hbm>>
        tpu.enqueue_dma source(%dma_start3A_266 : memref<128xi32, #tpu.memory_space<hbm>>) target(%dma_start3A_265 : memref<128xi32, #tpu.memory_space<vmem>>) target_semaphore(%arg15 : memref<!tpu.dma_semaphore, #tpu.memory_space<semaphore_mem>>)
        %mul3A_267 = arith.constant 128 : i32
        %mul3A_268 = arith.muli %add3A_255, %mul3A_267 : i32
        %dma_start3A_269 = arith.constant 1 : i32
        %dma_start3A_270 = arith.constant 0 : i32
        %dma_start3A_271 = tpu.memref_slice %arg8[%dma_start3A_269, %dma_start3A_270] : memref<2x128xi32, #tpu.memory_space<vmem>> -> memref<1x128xi32, #tpu.memory_space<vmem>>
        %dma_start3A_272 = tpu.memref_squeeze %dma_start3A_271 : memref<1x128xi32, #tpu.memory_space<vmem>> -> memref<128xi32, #tpu.memory_space<vmem>>
        %dma_start3A_273 = tpu.memref_slice %arg3[%mul3A_268] : memref<819200xi32, #tpu.memory_space<hbm>> -> memref<128xi32, #tpu.memory_space<hbm>>
        %dma_start3A_274 = arith.constant 0 : i32
        %dma_start3A_275 = tpu.memref_slice %arg8[%dma_start3A_269, %dma_start3A_274] : memref<2x128xi32, #tpu.memory_space<vmem>> -> memref<1x128xi32, #tpu.memory_space<vmem>>
        %dma_start3A_276 = tpu.memref_squeeze %dma_start3A_275 : memref<1x128xi32, #tpu.memory_space<vmem>> -> memref<128xi32, #tpu.memory_space<vmem>>
        %dma_start3A_277 = tpu.memref_slice %arg3[%mul3A_268] : memref<819200xi32, #tpu.memory_space<hbm>> -> memref<128xi32, #tpu.memory_space<hbm>>
        tpu.enqueue_dma source(%dma_start3A_277 : memref<128xi32, #tpu.memory_space<hbm>>) target(%dma_start3A_276 : memref<128xi32, #tpu.memory_space<vmem>>) target_semaphore(%arg15 : memref<!tpu.dma_semaphore, #tpu.memory_space<semaphore_mem>>)
      } else {
      }
    }
    %scan3A_58 = arith.constant 100 : i32
    %dma_wait3A = arith.constant 0 : i32
    %dma_wait3A_59 = arith.constant 0 : i32
    %dma_wait3A_60 = arith.constant 0 : i32
    %dma_wait3A_61 = arith.constant 0 : i32
    %dma_wait3A_62 = arith.constant 0 : i32
    %dma_wait3A_63 = arith.constant 0 : i32
    %dma_wait3A_64 = tpu.memref_slice %arg11[%dma_wait3A, %dma_wait3A_61, %dma_wait3A_62, %dma_wait3A_63] : memref<2x4x8x128xf32, #tpu.memory_space<vmem>> -> memref<1x4x8x128xf32, #tpu.memory_space<vmem>>
    %dma_wait3A_65 = tpu.memref_squeeze %dma_wait3A_64 : memref<1x4x8x128xf32, #tpu.memory_space<vmem>> -> memref<4x8x128xf32, #tpu.memory_space<vmem>>
    %dma_wait3A_66 = arith.constant 0 : i32
    %dma_wait3A_67 = arith.constant 0 : i32
    %dma_wait3A_68 = arith.constant 0 : i32
    %dma_wait3A_69 = tpu.memref_slice %arg6[%dma_wait3A_59, %dma_wait3A_66, %dma_wait3A_60, %dma_wait3A_67, %dma_wait3A_68] : memref<50x4x128x8x128xf32, #tpu.memory_space<hbm>> -> memref<1x4x1x8x128xf32, #tpu.memory_space<hbm>>
    %dma_wait3A_70 = tpu.memref_squeeze %dma_wait3A_69 : memref<1x4x1x8x128xf32, #tpu.memory_space<hbm>> -> memref<4x8x128xf32, #tpu.memory_space<hbm>>
    %dma_wait3A_71 = arith.constant 0 : i32
    %dma_wait3A_72 = arith.constant 0 : i32
    %dma_wait3A_73 = arith.constant 0 : i32
    %dma_wait3A_74 = tpu.memref_slice %arg6[%dma_wait3A_59, %dma_wait3A_71, %dma_wait3A_60, %dma_wait3A_72, %dma_wait3A_73] : memref<50x4x128x8x128xf32, #tpu.memory_space<hbm>> -> memref<1x4x1x8x128xf32, #tpu.memory_space<hbm>>
    %dma_wait3A_75 = tpu.memref_squeeze %dma_wait3A_74 : memref<1x4x1x8x128xf32, #tpu.memory_space<hbm>> -> memref<4x8x128xf32, #tpu.memory_space<hbm>>
    %dma_wait3A_76 = arith.constant 0 : i32
    %dma_wait3A_77 = arith.constant 0 : i32
    %dma_wait3A_78 = arith.constant 0 : i32
    %dma_wait3A_79 = tpu.memref_slice %arg11[%dma_wait3A, %dma_wait3A_76, %dma_wait3A_77, %dma_wait3A_78] : memref<2x4x8x128xf32, #tpu.memory_space<vmem>> -> memref<1x4x8x128xf32, #tpu.memory_space<vmem>>
    %dma_wait3A_80 = tpu.memref_squeeze %dma_wait3A_79 : memref<1x4x8x128xf32, #tpu.memory_space<vmem>> -> memref<4x8x128xf32, #tpu.memory_space<vmem>>
    tpu.wait_dma2 semaphore(%arg16 : memref<!tpu.dma_semaphore, #tpu.memory_space<semaphore_mem>>) src(%dma_wait3A_80 : memref<4x8x128xf32, #tpu.memory_space<vmem>>) dst(%dma_wait3A_75 : memref<4x8x128xf32, #tpu.memory_space<hbm>>)
    %dma_wait3A_81 = arith.constant 1 : i32
    %dma_wait3A_82 = arith.constant 0 : i32
    %dma_wait3A_83 = arith.constant 0 : i32
    %dma_wait3A_84 = arith.constant 0 : i32
    %dma_wait3A_85 = arith.constant 0 : i32
    %dma_wait3A_86 = arith.constant 0 : i32
    %dma_wait3A_87 = tpu.memref_slice %arg11[%dma_wait3A_81, %dma_wait3A_84, %dma_wait3A_85, %dma_wait3A_86] : memref<2x4x8x128xf32, #tpu.memory_space<vmem>> -> memref<1x4x8x128xf32, #tpu.memory_space<vmem>>
    %dma_wait3A_88 = tpu.memref_squeeze %dma_wait3A_87 : memref<1x4x8x128xf32, #tpu.memory_space<vmem>> -> memref<4x8x128xf32, #tpu.memory_space<vmem>>
    %dma_wait3A_89 = arith.constant 0 : i32
    %dma_wait3A_90 = arith.constant 0 : i32
    %dma_wait3A_91 = arith.constant 0 : i32
    %dma_wait3A_92 = tpu.memref_slice %arg6[%dma_wait3A_82, %dma_wait3A_89, %dma_wait3A_83, %dma_wait3A_90, %dma_wait3A_91] : memref<50x4x128x8x128xf32, #tpu.memory_space<hbm>> -> memref<1x4x1x8x128xf32, #tpu.memory_space<hbm>>
    %dma_wait3A_93 = tpu.memref_squeeze %dma_wait3A_92 : memref<1x4x1x8x128xf32, #tpu.memory_space<hbm>> -> memref<4x8x128xf32, #tpu.memory_space<hbm>>
    %dma_wait3A_94 = arith.constant 0 : i32
    %dma_wait3A_95 = arith.constant 0 : i32
    %dma_wait3A_96 = arith.constant 0 : i32
    %dma_wait3A_97 = tpu.memref_slice %arg6[%dma_wait3A_82, %dma_wait3A_94, %dma_wait3A_83, %dma_wait3A_95, %dma_wait3A_96] : memref<50x4x128x8x128xf32, #tpu.memory_space<hbm>> -> memref<1x4x1x8x128xf32, #tpu.memory_space<hbm>>
    %dma_wait3A_98 = tpu.memref_squeeze %dma_wait3A_97 : memref<1x4x1x8x128xf32, #tpu.memory_space<hbm>> -> memref<4x8x128xf32, #tpu.memory_space<hbm>>
    %dma_wait3A_99 = arith.constant 0 : i32
    %dma_wait3A_100 = arith.constant 0 : i32
    %dma_wait3A_101 = arith.constant 0 : i32
    %dma_wait3A_102 = tpu.memref_slice %arg11[%dma_wait3A_81, %dma_wait3A_99, %dma_wait3A_100, %dma_wait3A_101] : memref<2x4x8x128xf32, #tpu.memory_space<vmem>> -> memref<1x4x8x128xf32, #tpu.memory_space<vmem>>
    %dma_wait3A_103 = tpu.memref_squeeze %dma_wait3A_102 : memref<1x4x8x128xf32, #tpu.memory_space<vmem>> -> memref<4x8x128xf32, #tpu.memory_space<vmem>>
    tpu.wait_dma2 semaphore(%arg17 : memref<!tpu.dma_semaphore, #tpu.memory_space<semaphore_mem>>) src(%dma_wait3A_103 : memref<4x8x128xf32, #tpu.memory_space<vmem>>) dst(%dma_wait3A_98 : memref<4x8x128xf32, #tpu.memory_space<hbm>>)
    return
  }
}

</mosaic_0001>

<sc_bundles>
// kernel: kernel.3.cloned.1.call-start
scs
__scs_entry_jumppad:
0x0: {  	(pc) =	sbr.rel $0x88, $3  }
0x1: {  	(tag) =	ssettag $0x0;
	lr =	simm.s32 $0x1  }
0x2: {  	[smem:$0x3F9D] =	sst lr;
	_ =	strace $0xD0000000  }
0x3: {  	_ = 	snop  }
0x4: {  	_ = 	snop  }
0x5: {  	_ = 	snop  }
0x6: {  	_ = 	snop  }
0x7: {  	_ = 	snop  }
__scs_overlays_trampoline_lowered:
0x8: {  	[smem:$0x3FAC] =	sst s0  }
0x9: {  	[smem:$0x3FAD] =	sst s1  }
0xa: {  	[smem:$0x3FAE] =	sst s2  }
0xb: {  	[smem:$0x3FAF] =	sst s3  }
0xc: {  	[smem:$0x3FB0] =	sst s4  }
0xd: {  	[smem:$0x3FB1] =	sst s5  }
0xe: {  	[smem:$0x3FB2] =	sst s6  }
0xf: {  	[smem:$0x3FB3] =	sst s7  }
0x10: {  	[smem:$0x3FB4] =	sst s8  }
0x11: {  	[smem:$0x3FB5] =	sst s9;
	s0 =	simm.s32 @!p0 $0x0  }
0x12: {  	s1 =	sld [smem:$0x3F9B];
	s0 =	simm.s32 @p0 $0x1  }
0x13: {  	[smem:$0x3FB6] =	sst s0;
	s0 =	simm.s32 @!p1 $0x0  }
0x14: {  	s2 =	sld [smem:$0x3F9A];
	s0 =	simm.s32 @p1 $0x1  }
0x15: {  	[smem:$0x3FB7] =	sst s0;
	s0 =	simm.s32 @!p2 $0x0  }
0x16: {  	s3 =	sld [smem:$0x3FDB];
	s0 =	simm.s32 @p2 $0x1  }
0x17: {  	s4 =	simm.s32 $0x1BF5;
	[smem:$0x3FB9] =	sst s0  }
0x18: {  	s0 =	sld [smem:$0x3F9C];
	_ =	swait.ge [sflag:s4], $0x0  }
0x19: {  	s7 =	sld [smem:$0x3F9D]  }
0x1a: {  	s8 =	sadd.s32 $0xFFFFE003, lr  }
0x1b: {  	s9 =	sadd.s32 $0xFFFFFEF7, lr;
	s5 =	simm.s32 $0xFFFFFFFF;
	p2 =	slt.u32 s8, $0xFFFFF086  }
0x1c: {  	p1 =	slt.u32 s9, $0xF7A;
	s5 =	simm.s32 @!p2 $0x0  }
0x1d: {  	s5 =	simm.s32 @p1 $0x1;
	p0 =	seq.s32 s7, s2  }
0x1e: {  	s7 =	smul.u32 @!p0 $0xF7A, s2;
	p2 =	seq.s32 @!p0 s5, $0x0  }
0x1f: {  	s9 =	smul.u32 $0xF7A, s1;
	s8 =	simm.s32 @!p0 $0x1BF5;
	p2 =	por !p2, p0  }
0x20: {  	[sflag:s8] =	ssyncset.s32 @!p0 $0xFFFFF086;
	s6 =	sadd.s32 @!p0 s3, s7;
	s7 =	simm.s32 @!p0 $0x108  }
0x21: {  	s3 =	sadd.s32 s3, s9;
	s6 =	sadd.s32 @!p0 $0x88, s6;
	s7 =	simm.s32 @p2 $0x1082  }
0x22: {  	[simem:s7], [sflag:s8] =	dma.local @!p0 [hbm:s6], $0xF7A  }
0x23: {  	s9 =	sor.u32 $0xD0000000, s2;
	s6 =	simm.s32 $0x108;
	_ =	swait.ge @!p0 [sflag:s8], $0x0  }
0x24: {  	s3 =	sadd.s32 $0x88, s3;
	s6 =	simm.s32 @!p1 $0x1082;
	[sflag:s4] =	ssyncset.s32 $0xFFFFF086  }
0x25: {  	[simem:s6], [sflag:s4] =	dma.local [hbm:s3], $0xF7A  }
0x26: {  	[smem:$0x3F9D] =	sst s1;
	(tag) =	ssettag s2;
	_ =	strace s9  }
0x27: {  	s1 =	sld [smem:$0x3FAD]  }
0x28: {  	s2 =	sld [smem:$0x3FAE]  }
0x29: {  	s4 =	sld [smem:$0x3FB0]  }
0x2a: {  	p0 =	seq.s32 s5, $0x0;
	s5 =	sld [smem:$0x3FB1]  }
0x2b: {  	s6 =	sld [smem:$0x3FB2]  }
0x2c: {  	s7 =	sld [smem:$0x3FB3]  }
0x2d: {  	s3 =	simm.s32 $0x108;
	s8 =	sld [smem:$0x3FB4]  }
0x2e: {  	s3 =	simm.s32 @!p0 $0x1082;
	s9 =	sld [smem:$0x3FB5]  }
0x2f: {  	lr =	sadd.s32 s0, s3;
	s0 =	sld [smem:$0x3FAC]  }
0x30: {  	s3 =	sld [smem:$0x3FAF]  }
0x31: {  	[smem:$0x3FB8] =	sst s10  }
0x32: {  	s10 =	sld [smem:$0x3FB6];
	_ =	sdelay $0x3  }
0x33: {  	p0 =	seq.s32 s10, $0x1;
	s10 =	sld [smem:$0x3FB8];
	_ =	sdelay $0x3  }
0x34: {  	[smem:$0x3FB8] =	sst s10  }
0x35: {  	s10 =	sld [smem:$0x3FB7];
	_ =	sdelay $0x3  }
0x36: {  	p1 =	seq.s32 s10, $0x1;
	s10 =	sld [smem:$0x3FB8];
	_ =	sdelay $0x3  }
0x37: {  	[smem:$0x3FB8] =	sst s10  }
0x38: {  	s10 =	sld [smem:$0x3FB9]  }
0x39: {  	_ = 	snop;
	(pc) =	sbr.ind lr, $3  }
0x3a: {  	_ = 	snop  }
0x3b: {  	_ = 	snop  }
0x3c: {  	p2 =	seq.s32 s10, $0x1;
	s10 =	sld [smem:$0x3FB8]  }
0x3d: {  	_ =	shalt  }
0x3e: {  	_ =	shalt  }
0x3f: {  	_ =	shalt  }
0x40: {  	_ =	shalt  }
0x41: {  	_ =	shalt  }
0x42: {  	_ =	shalt  }
0x43: {  	_ =	shalt  }
0x44: {  	_ =	shalt  }
0x45: {  	_ =	shalt  }
0x46: {  	_ =	shalt  }
0x47: {  	_ =	shalt  }
0x48: {  	_ =	shalt  }
0x49: {  	_ =	shalt  }
0x4a: {  	_ =	shalt  }
0x4b: {  	_ =	shalt  }
0x4c: {  	_ =	shalt  }
0x4d: {  	_ =	shalt  }
0x4e: {  	_ =	shalt  }
0x4f: {  	_ =	shalt  }
0x50: {  	_ =	shalt  }
0x51: {  	_ =	shalt  }
0x52: {  	_ =	shalt  }
0x53: {  	_ =	shalt  }
0x54: {  	_ =	shalt  }
0x55: {  	_ =	shalt  }
0x56: {  	_ =	shalt  }
0x57: {  	_ =	shalt  }
0x58: {  	_ =	shalt  }
0x59: {  	_ =	shalt  }
0x5a: {  	_ =	shalt  }
0x5b: {  	_ =	shalt  }
0x5c: {  	_ =	shalt  }
0x5d: {  	_ =	shalt  }
0x5e: {  	_ =	shalt  }
0x5f: {  	_ =	shalt  }
0x60: {  	_ =	shalt  }
0x61: {  	_ =	shalt  }
0x62: {  	_ =	shalt  }
0x63: {  	_ =	shalt  }
0x64: {  	_ =	shalt  }
0x65: {  	_ =	shalt  }
0x66: {  	_ =	shalt  }
0x67: {  	_ =	shalt  }
0x68: {  	_ =	shalt  }
0x69: {  	_ =	shalt  }
0x6a: {  	_ =	shalt  }
0x6b: {  	_ =	shalt  }
0x6c: {  	_ =	shalt  }
0x6d: {  	_ =	shalt  }
0x6e: {  	_ =	shalt  }
0x6f: {  	_ =	shalt  }
0x70: {  	_ =	shalt  }
0x71: {  	_ =	shalt  }
0x72: {  	_ =	shalt  }
0x73: {  	_ =	shalt  }
0x74: {  	_ =	shalt  }
0x75: {  	_ =	shalt  }
0x76: {  	_ =	shalt  }
0x77: {  	_ =	shalt  }
0x78: {  	_ =	shalt  }
0x79: {  	_ =	shalt  }
0x7a: {  	_ =	shalt  }
0x7b: {  	_ =	shalt  }
0x7c: {  	_ =	shalt  }
0x7d: {  	_ =	shalt  }
0x7e: {  	_ =	shalt  }
0x7f: {  	_ =	shalt  }
0x80: {  	_ =	shalt  }
0x81: {  	_ =	shalt  }
0x82: {  	_ =	shalt  }
0x83: {  	_ =	shalt  }
0x84: {  	_ =	shalt  }
0x85: {  	_ =	shalt  }
0x86: {  	_ =	shalt  }
0x87: {  	_ =	shalt  }
.Lfunc_end0:
.L_simem_size_0:
called_computation_lowered:
.L_overlay_start_0:
0x88: {  	s2 =	sld [smem:$0x3FD9]  }
0x89: {  	s3 =	sld [smem:$0x3FFE];
	_ =	sdelay $0x1  }
0x8a: {  	s1 =	srdreg.scid  }
0x8b: {  	s0 =	sand.u32 $0x1, s1  }
0x8c: {  	s17 =	sshll.u32 s0, $0xA;
	s2 =	sadd.s32 s3, s2  }
0x8d: {  	s2 =	sadd.s32 s2, s17  }
0x8e: {  	[smem:$0x3FC4] =	sst s2  }
0x8f: {  	_ = 	snop  }
0x90: {  	s2 =	sld [smem:$0x3FD0];
	(tm) =	ssettm $0x1  }
0x91: {  	s18 =	sld [smem:$0x3FFB];
	_ =	sdelay $0x3  }
0x92: {  	_ =	strace s18  }
0x93: {  	s3 =	sld [smem:$0x3FFC];
	_ =	sdelay $0x3  }
0x94: {  	_ =	strace s3  }
0x95: {  	s3 =	sld [smem:$0x3FFD];
	_ =	sdelay $0x3  }
0x96: {  	_ =	strace s3  }
0x97: {  	_ =	strace $0x8FFFFFFF  }
0x98: {  	s19 =	sld [smem:$0x3FDB];
	_ =	sdelay $0x1  }
0x99: {  	s4 =	simm.s32 $_scs_section_size  }
0x9a: {  	s5 =	simm.s32 $_size__tile_overlayer_lowered;
	s6 =	simm.s32 $_tile_overlayer_lowered  }
0x9b: {  	s22 =	simm.s32 $0x1BFF;
	s21 =	sshll.u32 s6, $0x1;
	s3 =	sadd.s32 s4, s19  }
0x9c: {  	s7 =	simm.s32 $0x0;
	s20 =	sshll.u32 s5, $0x1;
	s5 =	sadd.s32 s21, s3  }
0x9d: {  	[timem:s7], [sflag:s22] =	dma.local [hbm:s5], s20  }
0x9e: {  	_ =	swait.ge [sflag:s22], s20  }
0x9f: {  	s4 =	ssub.s32 $0x0, s20;
	[sflag:s22] =	ssyncset.done $0x0  }
0xa0: {  	[sflag:s22] =	ssyncadd.s32 s4;
	_ =	sdelay $0x1  }
0xa1: {  	s23 =	simm.s32 $0x1B8B  }
0xa2: {  	_ =	swait.ge [sflag:s23], $0x1  }
0xa3: {  	[sflag:s23] =	ssyncset.done $0x0  }
0xa4: {  	s25 =	simm.s32 $0x1B8E;
	s24 =	sld [smem:$0x3FFE];
	[sflag:s23] =	ssyncadd.s32 $0xFFFFFFFF  }
0xa5: {  	s26 =	simm.s32 $execute0_lowered;
	[smem:$0x3FD2] =	sst s25  }
0xa6: {  	s5 =	sshll.u32 s26, $0x1;
	_ =	strace $0x80000046;
	[dreg:$0x1] =	wrdreg $0xFFFFFFFF  }
0xa7: {  	s28 =	simm.s32 $_size_execute0_lowered;
	s3 =	sadd.s32 s3, s5;
	[dreg:$0x0] =	wrdreg $0x0  }
0xa8: {  	s5 =	sshll.u32 s28, $0x1;
	[dreg:$0x2] =	wrdreg s3  }
0xa9: {  	[dreg:$0x3] =	wrdreg s5  }
0xaa: {  	[dreg:$0x4] =	wrdreg $0xC0  }
0xab: {  	_ =	task [dreg:s7], $0x5FFFF  }
0xac: {  	[dreg:$0x1] =	wrdreg $0xFFFFFFFF  }
0xad: {  	[dreg:$0x0] =	wrdreg $0x60  }
0xae: {  	[dreg:$0x2] =	wrdreg s24  }
0xaf: {  	[dreg:$0x3] =	wrdreg s2  }
0xb0: {  	[dreg:$0x4] =	wrdreg $0x9  }
0xb1: {  	_ =	task.clear_ibuf [dreg:s7], $0x5FFFF;
	_ =	strace $0x90000046  }
0xb2: {  	s29 =	simm.s32 $0x9;
	_ =	strace $0x80000048  }
0xb3: {  	_ =	swait.ge [sflag:s29], $0x1  }
0xb4: {  	[sflag:s29] =	ssyncadd.s32 $0xFFFFFFFF  }
0xb5: {  	_ =	strace $0x90000048  }
0xb6: {  	_ =	sfence  }
0xb7: {  	s30 =	sld [smem:$0x0];
	_ =	sdelay $0x2  }
0xb8: {  	s31 =	sshll.u32 s1, $0xD;
	s1 =	sshrl.u32 s1, $0x2  }
0xb9: {  	s3 =	sand.u32 $0x4000, s31;
	s1 =	sadd.s32 s1, s30  }
0xba: {  	s0 =	sor.u32 s3, s0;
	s1 =	sshll.u32 s1, $0x11  }
0xbb: {  	s0 =	sor.u32 s1, s0  }
0xbc: {  	s0 =	sadd.s32 $0x8F2B, s0  }
0xbd: {  	[sflag:s0] =	ssyncadd.remote.s32 $0x1  }
0xbe: {  	_ =	sfence.sel $0xFFFF  }
0xbf: {  	[dreg:$0x0] =	wrdreg $0xFFFFFFFF;
	(pc) =	sbr.abs _section_cstart, $3  }
0xc0: {  	[dreg:$0x1] =	wrdreg $0xFFFFFFFF  }
0xc1: {  	_ =	task.clear_ibuf [dreg:s7], $0x2FFFF;
	_ =	strace $0x9FFFFFFF  }
0xc2: {  	(tm) =	ssettm $0x7FFFFFFF  }
0xc3: {  	_ =	shalt  }
tec
execute0_lowered:
.L_overlay_start_1:
0x0: {  	(tag) =	ssettag $0x1  }
0x1: {  	s0 =	rddreg [dreg:$0x0]  }
0x2: {  	s1 =	rddreg [dreg:$0x1];
	s3 =	simm.s32 $0x0  }
0x3: {  	s2 =	srdreg.scid;
	s5 =	stileid.u32;
	s16 =	simm.s32 $0x80  }
0x4: {  	s17 =	simm.s32 $0x200;
	s18 =	simm.s32 $0x2200;
	s19 =	simm.s32 $0x180  }
0x5: {  	s20 =	simm.s32 $0x4;
	s21 =	simm.s32 $0x1200;
	s22 =	simm.s32 $0x3200  }
0x6: {  	s23 =	simm.s32 $0x1;
	s28 =	simm.s32 $0x2;
	s29 =	simm.s32 $0x5200  }
0x7: {  	[smem:$0x7FF] =	sst s3;
	s2 =	sand.u32 $0x1, s2;
	s6 =	sshll.u32 s5, $0x1  }
0x8: {  	s4 =	sadd.s32 $0x19800, s0;
	s8 =	ssub.s32 $0x2, s2;
	s2 =	sor.u32 s2, s6  }
0x9: {  	s5 =	sadd.s32 $0x800, s0;
	s7 =	sadd.s32 $0xF42C00, s0;
	s10 =	smul.u32 $0xC80, s2  }
0xa: {  	_ =	strace $0x80000047;
	s6 =	sadd.s32 $0x1313600, s0;
	s9 =	sshrl.u32 s8, $0x1  }
0xb: {  	v0 =	vlaneseq.u32;
	s24 =	ssub.s32 s8, s9;
	s8 =	smul.u32 $0xC8, s2;
	s25 =	sadd.s32 s4, s10  }
.Ltmp0:
0xc: {  	v0 =	vmul.u32 $0x20, v0;
	s26 =	sadd.s32 s5, s10;
	[dreg:$0x3] =	wrdreg s25;
	(pc) =	sbr.rel .LBB2_1-.Ltmp0, $4  }
0xd: {  	s30 =	sor.u32 $0x10, s10;
	s0 =	smax.u32 s24, $0x1;
	[dreg:$0x4] =	wrdreg s26  }
0xe: {  	v1 =	vor.u32 $0x200, v0;
	s9 =	simm.s32 $0x0;
	s31 =	sadd.s32 s4, s30;
	[dreg:$0x7] =	wrdreg s0  }
0xf: {  	v2 =	vor.u32 $0x400, v0;
	v3 =	vor.u32 $0x600, v0;
	v4 =	vor.u32 $0x800, v0;
	s24 =	simm.s32 $0x400;
	s2 =	sadd.s32 s5, s30;
	[dreg:$0x5] =	wrdreg s31  }
0x10: {  	v5 =	vor.u32 $0xA00, v0;
	v6 =	vor.u32 $0xC00, v0;
	v7 =	vor.u32 $0xE00, v0;
	s25 =	simm.s32 $0x20000;
	s26 =	simm.s32 $0x4200;
	[dreg:$0x6] =	wrdreg s2  }
.LBB2_8:
0x11: {  	s0 =	simm.s32 $0x5  }
0x12: {  	_ =	swait.ge [sflag:s0], $0x1000  }
0x13: {  	[sflag:s0] =	ssyncset.done $0x0  }
0x14: {  	s2 =	simm.s32 $0x6;
	[sflag:s0] =	ssyncadd.s32 $0xFFFFF000  }
0x15: {  	_ =	swait.ge [sflag:s2], $0x1000  }
0x16: {  	s9 =	rddreg [dreg:$0x8]  }
0x17: {  	s31 =	rddreg [dreg:$0x7];
	s9 =	sadd.s32 $0x1, s9  }
0x18: {  	p0 =	sne.s32 s9, s31  }
.Ltmp1:
0x19: {  	_ = 	snop;
	(pc) =	sbr.rel @!p0 .LBB2_9-.Ltmp1, $3  }
0x1a: {  	_ =	sdelay $0x1  }
0x1b: {  	[sflag:s2] =	ssyncset.done $0x0  }
0x1c: {  	[sflag:s2] =	ssyncadd.s32 $0xFFFFF000  }
.LBB2_1:
0x1d: {  	[dreg:$0x8] =	wrdreg s9  }
0x1e: {  	s0 =	rddreg [dreg:$0x3];
	s2 =	simm.s32 $0x7  }
0x1f: {  	[tilespmem:s3], [sflag:$0x7] =	stream.linear.gather [hbm4b:s0+s3], $0x80, $0x38;
	[tilespmem:$0x6200] =	vst v63  }
0x20: {  	_ =	swait.ge [sflag:s2], $0x80  }
0x21: {  	[sflag:s2] =	ssyncset.done $0x0  }
0x22: {  	s15 =	simm.s32 $0x100;
	s14 =	rddreg [dreg:$0x4];
	[sflag:s2] =	ssyncadd.s32 $0xFFFFFF80  }
0x23: {  	[tilespmem:s15], [sflag:$0x7] =	stream.linear.gather [hbm4b:s14+s3], $0x80, $0x38;
	[tilespmem:$0x6200] =	vst v63  }
0x24: {  	_ =	swait.ge [sflag:s2], $0x80  }
0x25: {  	[sflag:s2] =	ssyncset.done $0x0  }
0x26: {  	[sflag:s2] =	ssyncadd.s32 $0xFFFFFF80  }
0x27: {  	[tilespmem:s17], [sflag:$0x1] =	stream.indirect.gather [hbm4b:s6+s16], $0x20, s3, s16, $0xb8;
	[tilespmem:$0x6200] =	vst v63  }
0x28: {  	_ = 	snop  }
0x29: {  	[tilespmem:s18], [sflag:$0x1] =	stream.indirect.gather [hbm4b:s7+s16], $0x20, s15, s16, $0xb8;
	[tilespmem:$0x6200] =	vst v63  }
0x2a: {  	s30 =	rddreg [dreg:$0x5]  }
0x2b: {  	[tilespmem:s16], [sflag:$0x4] =	stream.linear.gather [hbm4b:s30+s3], $0x80, $0x38;
	[tilespmem:$0x6200] =	vst v63  }
0x2c: {  	s31 =	rddreg [dreg:$0x6];
	s2 =	simm.s32 $0x0  }
0x2d: {  	[tilespmem:s19], [sflag:$0x4] =	stream.linear.gather [hbm4b:s31+s3], $0x80, $0x38;
	[tilespmem:$0x6200] =	vst v63  }
.LBB2_2:
0x2e: {  	_ =	swait.ge [sflag:s20], $0x80  }
0x2f: {  	[sflag:s20] =	ssyncset.done $0x0  }
0x30: {  	[sflag:s20] =	ssyncadd.s32 $0xFFFFFF80  }
0x31: {  	_ =	swait.ge [sflag:s20], $0x80  }
0x32: {  	[sflag:s20] =	ssyncset.done $0x0  }
0x33: {  	[sflag:s20] =	ssyncadd.s32 $0xFFFFFF80  }
0x34: {  	[tilespmem:s21], [sflag:$0x2] =	stream.indirect.gather [hbm4b:s6+s16], $0x20, s16, s16, $0xb8;
	[tilespmem:$0x6200] =	vst v63  }
0x35: {  	s9 =	simm.s32 $0x1  }
0x36: {  	[tilespmem:s22], [sflag:$0x2] =	stream.indirect.gather [hbm4b:s7+s16], $0x20, s19, s16, $0xb8;
	[tilespmem:$0x6200] =	vst v63  }
0x37: {  	s10 =	simm.s32 $0x0;
	v8 =	vmov s9;
	_ =	swait.ge [sflag:s23], $0x1000  }
0x38: {  	v9 =	vmov s10;
	v8 =	vand.u32 $0x1F, v8;
	[sflag:s23] =	ssyncset.done $0x0  }
0x39: {  	v9 =	vand.u32 $0x1E, v9;
	v16 =	vbroadcast v8, $0x0;
	[sflag:s23] =	ssyncadd.s32 $0xFFFFF000  }
0x3a: {  	v9 =	vbroadcast v9, $0x0;
	_ =	swait.ge [sflag:s23], $0x1000  }
0x3b: {  	p0 =	seq.s32 s2, $0x0;
	v10 =	vor.u32 v0, v16;
	[sflag:s23] =	ssyncset.done $0x0  }
0x3c: {  	s9 =	simm.s32 @!p0 $0x5;
	v11 =	vor.u32 v7, v9;
	[sflag:s23] =	ssyncadd.s32 $0xFFFFF000  }
0x3d: {  	_ =	swait.ge @!p0 [sflag:s9], $0x1000  }
0x3e: {  	v12 =	vor.u32 v0, v9;
	[sflag:s9] =	ssyncset.done @!p0 $0x0  }
0x3f: {  	[sflag:s9] =	ssyncadd.s32 @!p0 $0xFFFFF000  }
0x40: {  	v13 =	vor.u32 v1, v9;
	v8 =	vld.idx.msk [tilespmem:v10+s17+$0x0], $0xffff  }
0x41: {  	v14 =	vld.idx.msk [tilespmem:v11+s17+$0x0], $0xffff  }
0x42: {  	v15 =	vor.u32 v2, v9;
	v11 =	vld.idx.msk [tilespmem:v11+s18+$0x0], $0xffff  }
0x43: {  	v17 =	vld.idx.msk [tilespmem:v12+s17+$0x0], $0xffff  }
0x44: {  	v18 =	vor.u32 v3, v9;
	v12 =	vld.idx.msk [tilespmem:v12+s18+$0x0], $0xffff  }
0x45: {  	v19 =	vld.idx.msk [tilespmem:v13+s17+$0x0], $0xffff  }
0x46: {  	v20 =	vor.u32 v4, v9;
	v13 =	vld.idx.msk [tilespmem:v13+s18+$0x0], $0xffff  }
0x47: {  	v21 =	vld.idx.msk [tilespmem:v15+s17+$0x0], $0xffff  }
0x48: {  	v22 =	vor.u32 v5, v9;
	v15 =	vld.idx.msk [tilespmem:v15+s18+$0x0], $0xffff  }
0x49: {  	v9 =	vor.u32 v6, v9;
	v23 =	vld.idx.msk [tilespmem:v18+s17+$0x0], $0xffff  }
0x4a: {  	v18 =	vld.idx.msk [tilespmem:v18+s18+$0x0], $0xffff  }
0x4b: {  	v24 =	vld.idx.msk [tilespmem:v20+s17+$0x0], $0xffff  }
0x4c: {  	s10 =	simm.s32 $0x0;
	v25 =	vor.u32 v1, v16;
	v20 =	vld.idx.msk [tilespmem:v20+s18+$0x0], $0xffff  }
0x4d: {  	s14 =	sand.u32 $0xC00, s10;
	v26 =	vld.idx.msk [tilespmem:v22+s17+$0x0], $0xffff  }
0x4e: {  	s11 =	sand.u32 $0x300, s10;
	s13 =	sor.u32 $0x4200, s14;
	v27 =	vld.idx.msk [tilespmem:v9+s17+$0x0], $0xffff;
	v11 =	vadd.f32 v11, v14  }
0x4f: {  	s30 =	sadd.s32 s11, s13;
	v14 =	vld.idx.msk [tilespmem:v22+s18+$0x0], $0xffff;
	v22 =	vor.u32 v2, v16;
	v12 =	vadd.f32 v12, v17  }
0x50: {  	v28 =	vld.idx.msk [tilespmem:v9+s18+$0x0], $0xffff;
	v9 =	vadd.f32 v15, v21;
	[tilespmem:s30+$0x70] =	vst v11  }
0x51: {  	v17 =	vld.idx.msk [tilespmem:v25+s17+$0x0], $0xffff;
	v11 =	vadd.f32 v13, v19;
	v13 =	vor.u32 v3, v16;
	[tilespmem:s30+$0x0] =	vst v12  }
0x52: {  	v19 =	vld.idx.msk [tilespmem:v10+s18+$0x0], $0xffff;
	v10 =	vadd.f32 v18, v23;
	[tilespmem:s30+$0x20] =	vst v9  }
0x53: {  	s31 =	simm.s32 $0x80;
	v9 =	vadd.f32 v20, v24;
	v18 =	vld.idx.msk [tilespmem:v25+s18+$0x0], $0xffff;
	v12 =	vor.u32 v4, v16;
	[tilespmem:s30+$0x10] =	vst v11  }
0x54: {  	s11 =	sand.u32 $0x380, s31;
	[tilespmem:s30+$0x30] =	vst v10;
	v20 =	vadd.f32 v14, v26;
	v14 =	vld.idx.msk [tilespmem:v22+s17+$0x0], $0xffff  }
0x55: {  	s15 =	sshll.u32 s2, $0x1;
	s12 =	simm.s32 $0x0;
	s11 =	sadd.s32 s11, s13;
	v11 =	vor.u32 v5, v16;
	v10 =	vor.u32 v6, v16;
	[tilespmem:s30+$0x40] =	vst v9;
	v15 =	vld.idx.msk [tilespmem:v22+s18+$0x0], $0xffff  }
0x56: {  	s13 =	simm.s32 $0x3;
	s9 =	sadd.s32 s8, s15;
	s15 =	sshllo.u32 s2, $0x1;
	v9 =	vor.u32 v7, v16;
	[tilespmem:s30+$0x50] =	vst v20;
	v20 =	vadd.f32 v28, v27;
	v16 =	vld.idx.msk [tilespmem:v13+s17+$0x0], $0xffff  }
.LBB2_3:
0x57: {  	s31 =	sadd.s32 $0xFFFFFFFF, s13;
	v21 =	vmov s13;
	v8 =	vadd.f32 v19, v8;
	v19 =	vld.idx.msk [tilespmem:v13+s18+$0x0], $0xffff  }
0x58: {  	s12 =	sadd.s32 $0x10, s12;
	v13 =	vmov s31;
	v21 =	vand.u32 $0x1F, v21;
	[tilespmem:s30+$0x60] =	vst v20;
	v20 =	vld.idx.msk [tilespmem:v12+s17+$0x0], $0xffff  }
0x59: {  	p1 =	slt.u32 s12, $0xF0;
	v17 =	vadd.f32 v18, v17;
	v13 =	vand.u32 $0x1E, v13;
	v21 =	vbroadcast v21, $0x0;
	[tilespmem:s11+$0x0] =	vst v8;
	v18 =	vld.idx.msk [tilespmem:v12+s18+$0x0], $0xffff  }
0x5a: {  	v8 =	vbroadcast v13, $0x0;
	v22 =	vld.idx.msk [tilespmem:v11+s17+$0x0], $0xffff  }
0x5b: {  	v23 =	vor.u32 v0, v21;
	v24 =	vor.u32 v1, v21;
	v25 =	vor.u32 v2, v21;
	v26 =	vld.idx.msk [tilespmem:v11+s18+$0x0], $0xffff  }
0x5c: {  	v27 =	vor.u32 v0, v8;
	v28 =	vor.u32 v1, v8;
	v29 =	vor.u32 v7, v8;
	v30 =	vld.idx.msk [tilespmem:v10+s17+$0x0], $0xffff  }
0x5d: {  	v31 =	vor.u32 v2, v8;
	v32 =	vor.u32 v3, v8;
	v33 =	vor.u32 v4, v8;
	v34 =	vld.idx.msk [tilespmem:v10+s18+$0x0], $0xffff  }
0x5e: {  	v13 =	vor.u32 v3, v21;
	v35 =	vor.u32 v5, v8;
	v36 =	vor.u32 v6, v8;
	v37 =	vld.idx.msk [tilespmem:v9+s17+$0x0], $0xffff  }
0x5f: {  	v12 =	vor.u32 v4, v21;
	v11 =	vor.u32 v5, v21;
	v10 =	vor.u32 v6, v21;
	v38 =	vld.idx.msk [tilespmem:v9+s18+$0x0], $0xffff  }
0x60: {  	v14 =	vadd.f32 v15, v14;
	v15 =	vadd.f32 v19, v16;
	v9 =	vor.u32 v7, v21;
	v8 =	vld.idx.msk [tilespmem:v23+s17+$0x0], $0xffff  }
0x61: {  	v16 =	vld.idx.msk [tilespmem:v29+s17+$0x0], $0xffff;
	[tilespmem:s11+$0x10] =	vst v17;
	v17 =	vadd.f32 v18, v20;
	v18 =	vadd.f32 v26, v22  }
0x62: {  	v19 =	vld.idx.msk [tilespmem:v29+s18+$0x0], $0xffff;
	[tilespmem:s11+$0x20] =	vst v14  }
0x63: {  	v14 =	vld.idx.msk [tilespmem:v27+s17+$0x0], $0xffff;
	[tilespmem:s11+$0x30] =	vst v15;
	v15 =	vadd.f32 v34, v30  }
0x64: {  	v20 =	vld.idx.msk [tilespmem:v27+s18+$0x0], $0xffff;
	[tilespmem:s11+$0x40] =	vst v17  }
0x65: {  	v17 =	vld.idx.msk [tilespmem:v28+s17+$0x0], $0xffff;
	[tilespmem:s11+$0x50] =	vst v18;
	v18 =	vadd.f32 v38, v37  }
0x66: {  	s10 =	sadd.s32 $0x100, s10;
	v21 =	vld.idx.msk [tilespmem:v28+s18+$0x0], $0xffff;
	[tilespmem:s11+$0x60] =	vst v15  }
0x67: {  	s30 =	sand.u32 $0xC00, s10;
	s31 =	sadd.s32 $0x80, s10;
	v15 =	vld.idx.msk [tilespmem:v31+s17+$0x0], $0xffff;
	[tilespmem:s11+$0x70] =	vst v18  }
0x68: {  	s14 =	sor.u32 $0x4200, s30;
	s31 =	sand.u32 $0x380, s31;
	s11 =	sand.u32 $0x300, s10;
	v16 =	vadd.f32 v19, v16;
	v18 =	vld.idx.msk [tilespmem:v31+s18+$0x0], $0xffff  }
0x69: {  	s30 =	sadd.s32 s11, s14;
	s11 =	sadd.s32 s31, s14;
	v19 =	vld.idx.msk [tilespmem:v32+s17+$0x0], $0xffff  }
0x6a: {  	v14 =	vadd.f32 v20, v14;
	v20 =	vld.idx.msk [tilespmem:v32+s18+$0x0], $0xffff;
	[tilespmem:s30+$0x70] =	vst v16  }
0x6b: {  	v16 =	vld.idx.msk [tilespmem:v33+s17+$0x0], $0xffff  }
0x6c: {  	[tilespmem:s30+$0x0] =	vst v14;
	v14 =	vadd.f32 v21, v17;
	v17 =	vld.idx.msk [tilespmem:v33+s18+$0x0], $0xffff  }
0x6d: {  	v21 =	vld.idx.msk [tilespmem:v35+s17+$0x0], $0xffff  }
0x6e: {  	[tilespmem:s30+$0x10] =	vst v14;
	v14 =	vadd.f32 v18, v15;
	v15 =	vld.idx.msk [tilespmem:v35+s18+$0x0], $0xffff  }
0x6f: {  	v22 =	vld.idx.msk [tilespmem:v36+s17+$0x0], $0xffff  }
0x70: {  	[tilespmem:s30+$0x20] =	vst v14;
	v14 =	vadd.f32 v20, v19;
	v20 =	vld.idx.msk [tilespmem:v36+s18+$0x0], $0xffff  }
0x71: {  	v19 =	vld.idx.msk [tilespmem:v23+s18+$0x0], $0xffff  }
.Ltmp2:
0x72: {  	[tilespmem:s30+$0x30] =	vst v14;
	v14 =	vadd.f32 v17, v16;
	v17 =	vld.idx.msk [tilespmem:v24+s17+$0x0], $0xffff;
	(pc) =	sbr.rel @p1 .LBB2_3-.Ltmp2, $4  }
0x73: {  	v18 =	vld.idx.msk [tilespmem:v24+s18+$0x0], $0xffff  }
0x74: {  	v16 =	vadd.f32 v15, v21;
	[tilespmem:s30+$0x40] =	vst v14;
	v14 =	vld.idx.msk [tilespmem:v25+s17+$0x0], $0xffff  }
0x75: {  	v15 =	vld.idx.msk [tilespmem:v25+s18+$0x0], $0xffff  }
0x76: {  	s13 =	sadd.s32 $0x2, s13;
	v20 =	vadd.f32 v20, v22;
	[tilespmem:s30+$0x50] =	vst v16;
	v16 =	vld.idx.msk [tilespmem:v13+s17+$0x0], $0xffff  }
0x77: {  	_ =	sdelay $0x3  }
0x78: {  	v13 =	vld.idx.msk [tilespmem:v13+s18+$0x0], $0xffff  }
0x79: {  	v21 =	vld.idx.msk [tilespmem:v12+s17+$0x0], $0xffff  }
0x7a: {  	v12 =	vld.idx.msk [tilespmem:v12+s18+$0x0], $0xffff  }
0x7b: {  	v22 =	vld.idx.msk [tilespmem:v11+s17+$0x0], $0xffff  }
0x7c: {  	v11 =	vld.idx.msk [tilespmem:v11+s18+$0x0], $0xffff  }
0x7d: {  	v23 =	vld.idx.msk [tilespmem:v10+s17+$0x0], $0xffff  }
0x7e: {  	v8 =	vadd.f32 v19, v8;
	v10 =	vld.idx.msk [tilespmem:v10+s18+$0x0], $0xffff  }
0x7f: {  	[tilespmem:s30+$0x60] =	vst v20;
	v17 =	vadd.f32 v18, v17;
	v18 =	vld.idx.msk [tilespmem:v9+s17+$0x0], $0xffff  }
0x80: {  	[tilespmem:s11+$0x0] =	vst v8;
	v8 =	vld.idx.msk [tilespmem:v9+s18+$0x0], $0xffff;
	v9 =	vadd.f32 v15, v14  }
0x81: {  	[tilespmem:s11+$0x10] =	vst v17;
	v13 =	vadd.f32 v13, v16  }
0x82: {  	v12 =	vadd.f32 v12, v21;
	[tilespmem:s11+$0x20] =	vst v9  }
0x83: {  	v9 =	vadd.f32 v11, v22;
	[tilespmem:s11+$0x30] =	vst v13  }
0x84: {  	s10 =	sshll.u32 s9, $0x7;
	v10 =	vadd.f32 v10, v23;
	[tilespmem:s11+$0x40] =	vst v12  }
0x85: {  	s12 =	sshll.u32 s9, $0x9;
	p1 =	seq.s32 s2, $0x63;
	s10 =	sand.u32 $0x3F00, s10;
	[tilespmem:s11+$0x50] =	vst v9;
	v8 =	vadd.f32 v8, v18  }
0x86: {  	s12 =	sand.u32 $0xFFF0000, s12;
	s9 =	sshll.u32 @!p1 s9, $0x4;
	s10 =	sadd.s32 s1, s10;
	[tilespmem:s11+$0x60] =	vst v10  }
0x87: {  	s9 =	sadd.s32 @!p1 $0x20, s9;
	s10 =	sadd.s32 s12, s10;
	[tilespmem:s11+$0x70] =	vst v8  }
0x88: {  	[hbm4b:s10+s24] =	stream.strided.scatter [tilespmem:s26], [sflag:$0x5], $0x1000, s25, s24, $0x38;
	[tilespmem:$0x6200] =	vst v63  }
0x89: {  	s11 =	simm.s32 @!p1 $0x0;
	s10 =	sadd.s32 @!p1 s4, s9  }
0x8a: {  	[tilespmem:s11], [sflag:$0x3] =	stream.linear.gather @!p1 [hbm4b:s10+s11], $0x80, $0x38;
	[tilespmem:$0x6200] =	vst v63  }
0x8b: {  	s9 =	sadd.s32 @!p1 s5, s9;
	s10 =	simm.s32 @!p1 $0x100  }
0x8c: {  	[tilespmem:s10], [sflag:$0x3] =	stream.linear.gather @!p1 [hbm4b:s9+s11], $0x80, $0x38;
	[tilespmem:$0x6200] =	vst v63  }
0x8d: {  	s9 =	simm.s32 @!p1 $0x3  }
0x8e: {  	_ =	swait.ge @!p1 [sflag:s9], $0x80  }
0x8f: {  	[sflag:s9] =	ssyncset.done @!p1 $0x0  }
0x90: {  	[sflag:s9] =	ssyncadd.s32 @!p1 $0xFFFFFF80  }
0x91: {  	_ =	swait.ge @!p1 [sflag:s9], $0x80  }
0x92: {  	[sflag:s9] =	ssyncset.done @!p1 $0x0  }
0x93: {  	s12 =	simm.s32 @!p1 $0x200;
	[sflag:s9] =	ssyncadd.s32 @!p1 $0xFFFFFF80;
	s9 =	simm.s32 @!p1 $0x80  }
0x94: {  	[tilespmem:s12], [sflag:$0x1] =	stream.indirect.gather @!p1 [hbm4b:s6+s9], $0x20, s11, s9, $0xb8;
	[tilespmem:$0x6200] =	vst v63  }
0x95: {  	s11 =	simm.s32 @!p1 $0x2200  }
0x96: {  	[tilespmem:s11], [sflag:$0x1] =	stream.indirect.gather @!p1 [hbm4b:s7+s9], $0x20, s10, s9, $0xb8;
	[tilespmem:$0x6200] =	vst v63  }
0x97: {  	s11 =	simm.s32 $0x1  }
0x98: {  	s12 =	simm.s32 $0x0;
	_ =	swait.ge [sflag:s28], $0x1000;
	v8 =	vmov s11  }
0x99: {  	v9 =	vmov s12;
	[sflag:s28] =	ssyncset.done $0x0;
	v8 =	vand.u32 $0x1F, v8  }
0x9a: {  	v9 =	vand.u32 $0x1E, v9;
	[sflag:s28] =	ssyncadd.s32 $0xFFFFF000;
	v16 =	vbroadcast v8, $0x0  }
0x9b: {  	v9 =	vbroadcast v9, $0x0;
	_ =	swait.ge [sflag:s28], $0x1000  }
0x9c: {  	[sflag:s28] =	ssyncset.done $0x0;
	v10 =	vor.u32 v0, v16  }
0x9d: {  	s9 =	simm.s32 @!p0 $0x6;
	v11 =	vor.u32 v7, v9;
	[sflag:s28] =	ssyncadd.s32 $0xFFFFF000  }
0x9e: {  	_ =	swait.ge @!p0 [sflag:s9], $0x1000  }
0x9f: {  	v12 =	vor.u32 v0, v9;
	[sflag:s9] =	ssyncset.done @!p0 $0x0  }
0xa0: {  	[sflag:s9] =	ssyncadd.s32 @!p0 $0xFFFFF000  }
0xa1: {  	v13 =	vor.u32 v1, v9;
	v8 =	vld.idx.msk [tilespmem:v10+s21+$0x0], $0xffff  }
0xa2: {  	v14 =	vld.idx.msk [tilespmem:v11+s21+$0x0], $0xffff  }
0xa3: {  	v15 =	vor.u32 v2, v9;
	v11 =	vld.idx.msk [tilespmem:v11+s22+$0x0], $0xffff  }
0xa4: {  	v17 =	vld.idx.msk [tilespmem:v12+s21+$0x0], $0xffff  }
0xa5: {  	v18 =	vor.u32 v3, v9;
	v12 =	vld.idx.msk [tilespmem:v12+s22+$0x0], $0xffff  }
0xa6: {  	v19 =	vld.idx.msk [tilespmem:v13+s21+$0x0], $0xffff  }
0xa7: {  	v20 =	vor.u32 v4, v9;
	v13 =	vld.idx.msk [tilespmem:v13+s22+$0x0], $0xffff  }
0xa8: {  	v21 =	vld.idx.msk [tilespmem:v15+s21+$0x0], $0xffff  }
0xa9: {  	v22 =	vor.u32 v5, v9;
	v15 =	vld.idx.msk [tilespmem:v15+s22+$0x0], $0xffff  }
0xaa: {  	v9 =	vor.u32 v6, v9;
	v23 =	vld.idx.msk [tilespmem:v18+s21+$0x0], $0xffff  }
0xab: {  	v18 =	vld.idx.msk [tilespmem:v18+s22+$0x0], $0xffff  }
0xac: {  	v24 =	vld.idx.msk [tilespmem:v20+s21+$0x0], $0xffff  }
0xad: {  	v25 =	vor.u32 v1, v16;
	s9 =	simm.s32 $0x0;
	v20 =	vld.idx.msk [tilespmem:v20+s22+$0x0], $0xffff  }
0xae: {  	s13 =	sand.u32 $0xC00, s9;
	v26 =	vld.idx.msk [tilespmem:v22+s21+$0x0], $0xffff  }
0xaf: {  	s14 =	sand.u32 $0x300, s9;
	v27 =	vld.idx.msk [tilespmem:v9+s21+$0x0], $0xffff;
	s31 =	sor.u32 $0x4200, s13;
	v11 =	vadd.f32 v11, v14  }
0xb0: {  	s10 =	sor.u32 $0x5200, s13;
	s13 =	sadd.s32 s14, s31;
	v14 =	vld.idx.msk [tilespmem:v22+s22+$0x0], $0xffff;
	v22 =	vor.u32 v2, v16;
	v12 =	vadd.f32 v12, v17  }
0xb1: {  	v28 =	vld.idx.msk [tilespmem:v9+s22+$0x0], $0xffff;
	s11 =	sadd.s32 s14, s10;
	v9 =	vadd.f32 v15, v21;
	[tilespmem:s13+$0x1070] =	vst v11  }
0xb2: {  	v17 =	vld.idx.msk [tilespmem:v25+s21+$0x0], $0xffff;
	v11 =	vadd.f32 v13, v19;
	v13 =	vor.u32 v3, v16;
	[tilespmem:s11+$0x0] =	vst v12  }
0xb3: {  	v19 =	vld.idx.msk [tilespmem:v10+s22+$0x0], $0xffff;
	v10 =	vadd.f32 v18, v23;
	[tilespmem:s13+$0x1020] =	vst v9  }
0xb4: {  	v9 =	vadd.f32 v20, v24;
	v18 =	vld.idx.msk [tilespmem:v25+s22+$0x0], $0xffff;
	v12 =	vor.u32 v4, v16;
	[tilespmem:s13+$0x1010] =	vst v11  }
0xb5: {  	s14 =	simm.s32 $0x80;
	[tilespmem:s13+$0x1030] =	vst v10;
	v20 =	vadd.f32 v14, v26;
	v14 =	vld.idx.msk [tilespmem:v22+s21+$0x0], $0xffff  }
0xb6: {  	s15 =	sadd.s32 s8, s15;
	s12 =	simm.s32 $0x3;
	s14 =	sand.u32 $0x380, s14;
	v11 =	vor.u32 v5, v16;
	v10 =	vor.u32 v6, v16;
	[tilespmem:s13+$0x1040] =	vst v9;
	v15 =	vld.idx.msk [tilespmem:v22+s22+$0x0], $0xffff  }
0xb7: {  	s30 =	sadd.s32 s14, s10;
	s10 =	sadd.s32 s14, s31;
	s11 =	simm.s32 $0x0;
	v9 =	vor.u32 v7, v16;
	[tilespmem:s13+$0x1050] =	vst v20;
	v20 =	vadd.f32 v28, v27;
	v16 =	vld.idx.msk [tilespmem:v13+s21+$0x0], $0xffff  }
.LBB2_5:
0xb8: {  	s14 =	sadd.s32 $0xFFFFFFFF, s12;
	v21 =	vmov s12;
	v8 =	vadd.f32 v19, v8;
	v19 =	vld.idx.msk [tilespmem:v13+s22+$0x0], $0xffff  }
0xb9: {  	s11 =	sadd.s32 $0x10, s11;
	v13 =	vmov s14;
	v21 =	vand.u32 $0x1F, v21;
	[tilespmem:s13+$0x1060] =	vst v20;
	v20 =	vld.idx.msk [tilespmem:v12+s21+$0x0], $0xffff  }
0xba: {  	p0 =	slt.u32 s11, $0xF0;
	v17 =	vadd.f32 v18, v17;
	v13 =	vand.u32 $0x1E, v13;
	v21 =	vbroadcast v21, $0x0;
	[tilespmem:s30+$0x0] =	vst v8;
	v18 =	vld.idx.msk [tilespmem:v12+s22+$0x0], $0xffff  }
0xbb: {  	v8 =	vbroadcast v13, $0x0;
	v22 =	vld.idx.msk [tilespmem:v11+s21+$0x0], $0xffff  }
0xbc: {  	v23 =	vor.u32 v0, v21;
	v24 =	vor.u32 v1, v21;
	v25 =	vor.u32 v2, v21;
	v26 =	vld.idx.msk [tilespmem:v11+s22+$0x0], $0xffff  }
0xbd: {  	v27 =	vor.u32 v0, v8;
	v28 =	vor.u32 v1, v8;
	v29 =	vor.u32 v7, v8;
	v30 =	vld.idx.msk [tilespmem:v10+s21+$0x0], $0xffff  }
0xbe: {  	v31 =	vor.u32 v2, v8;
	v32 =	vor.u32 v3, v8;
	v33 =	vor.u32 v4, v8;
	v34 =	vld.idx.msk [tilespmem:v10+s22+$0x0], $0xffff  }
0xbf: {  	v13 =	vor.u32 v3, v21;
	v35 =	vor.u32 v5, v8;
	v36 =	vor.u32 v6, v8;
	v37 =	vld.idx.msk [tilespmem:v9+s21+$0x0], $0xffff  }
0xc0: {  	v12 =	vor.u32 v4, v21;
	v11 =	vor.u32 v5, v21;
	v10 =	vor.u32 v6, v21;
	v38 =	vld.idx.msk [tilespmem:v9+s22+$0x0], $0xffff  }
0xc1: {  	v14 =	vadd.f32 v15, v14;
	v15 =	vadd.f32 v19, v16;
	v9 =	vor.u32 v7, v21;
	v8 =	vld.idx.msk [tilespmem:v23+s21+$0x0], $0xffff  }
0xc2: {  	v16 =	vld.idx.msk [tilespmem:v29+s21+$0x0], $0xffff;
	[tilespmem:s10+$0x1010] =	vst v17;
	v17 =	vadd.f32 v18, v20;
	v18 =	vadd.f32 v26, v22  }
0xc3: {  	v19 =	vld.idx.msk [tilespmem:v29+s22+$0x0], $0xffff;
	[tilespmem:s10+$0x1020] =	vst v14  }
0xc4: {  	v14 =	vld.idx.msk [tilespmem:v27+s21+$0x0], $0xffff;
	[tilespmem:s10+$0x1030] =	vst v15;
	v15 =	vadd.f32 v34, v30  }
0xc5: {  	v20 =	vld.idx.msk [tilespmem:v27+s22+$0x0], $0xffff;
	[tilespmem:s10+$0x1040] =	vst v17  }
0xc6: {  	v17 =	vld.idx.msk [tilespmem:v28+s21+$0x0], $0xffff;
	[tilespmem:s10+$0x1050] =	vst v18;
	v18 =	vadd.f32 v38, v37  }
0xc7: {  	s9 =	sadd.s32 $0x100, s9;
	v21 =	vld.idx.msk [tilespmem:v28+s22+$0x0], $0xffff;
	[tilespmem:s10+$0x1060] =	vst v15  }
0xc8: {  	s13 =	sand.u32 $0xC00, s9;
	s14 =	sadd.s32 $0x80, s9;
	v15 =	vld.idx.msk [tilespmem:v31+s21+$0x0], $0xffff;
	[tilespmem:s10+$0x1070] =	vst v18  }
0xc9: {  	s31 =	sor.u32 $0x4200, s13;
	s30 =	sor.u32 $0x5200, s13;
	s10 =	sand.u32 $0x300, s9;
	v16 =	vadd.f32 v19, v16;
	v18 =	vld.idx.msk [tilespmem:v31+s22+$0x0], $0xffff  }
0xca: {  	s0 =	sadd.s32 s10, s30;
	s13 =	sadd.s32 s10, s31;
	s10 =	sand.u32 $0x380, s14;
	v19 =	vld.idx.msk [tilespmem:v32+s21+$0x0], $0xffff  }
0xcb: {  	v14 =	vadd.f32 v20, v14;
	s30 =	sadd.s32 s10, s30;
	s10 =	sadd.s32 s10, s31;
	v20 =	vld.idx.msk [tilespmem:v32+s22+$0x0], $0xffff;
	[tilespmem:s13+$0x1070] =	vst v16  }
0xcc: {  	v16 =	vld.idx.msk [tilespmem:v33+s21+$0x0], $0xffff  }
0xcd: {  	[tilespmem:s0+$0x0] =	vst v14;
	v14 =	vadd.f32 v21, v17;
	v17 =	vld.idx.msk [tilespmem:v33+s22+$0x0], $0xffff  }
0xce: {  	v21 =	vld.idx.msk [tilespmem:v35+s21+$0x0], $0xffff  }
0xcf: {  	[tilespmem:s13+$0x1010] =	vst v14;
	v14 =	vadd.f32 v18, v15;
	v15 =	vld.idx.msk [tilespmem:v35+s22+$0x0], $0xffff  }
0xd0: {  	v22 =	vld.idx.msk [tilespmem:v36+s21+$0x0], $0xffff  }
0xd1: {  	[tilespmem:s13+$0x1020] =	vst v14;
	v14 =	vadd.f32 v20, v19;
	v20 =	vld.idx.msk [tilespmem:v36+s22+$0x0], $0xffff  }
0xd2: {  	v19 =	vld.idx.msk [tilespmem:v23+s22+$0x0], $0xffff  }
.Ltmp3:
0xd3: {  	[tilespmem:s13+$0x1030] =	vst v14;
	v14 =	vadd.f32 v17, v16;
	v17 =	vld.idx.msk [tilespmem:v24+s21+$0x0], $0xffff;
	(pc) =	sbr.rel @p0 .LBB2_5-.Ltmp3, $4  }
0xd4: {  	v18 =	vld.idx.msk [tilespmem:v24+s22+$0x0], $0xffff  }
0xd5: {  	v16 =	vadd.f32 v15, v21;
	[tilespmem:s13+$0x1040] =	vst v14;
	v14 =	vld.idx.msk [tilespmem:v25+s21+$0x0], $0xffff  }
0xd6: {  	v15 =	vld.idx.msk [tilespmem:v25+s22+$0x0], $0xffff  }
0xd7: {  	s12 =	sadd.s32 $0x2, s12;
	v20 =	vadd.f32 v20, v22;
	[tilespmem:s13+$0x1050] =	vst v16;
	v16 =	vld.idx.msk [tilespmem:v13+s21+$0x0], $0xffff  }
0xd8: {  	_ =	sdelay $0x3  }
0xd9: {  	v13 =	vld.idx.msk [tilespmem:v13+s22+$0x0], $0xffff  }
0xda: {  	v21 =	vld.idx.msk [tilespmem:v12+s21+$0x0], $0xffff  }
0xdb: {  	v58 =	vld.idx.msk [tilespmem:v12+s22+$0x0], $0xffff  }
0xdc: {  	v22 =	vld.idx.msk [tilespmem:v11+s21+$0x0], $0xffff  }
0xdd: {  	v59 =	vld.idx.msk [tilespmem:v11+s22+$0x0], $0xffff  }
0xde: {  	v23 =	vld.idx.msk [tilespmem:v10+s21+$0x0], $0xffff  }
0xdf: {  	v8 =	vadd.f32 v19, v8;
	v60 =	vld.idx.msk [tilespmem:v10+s22+$0x0], $0xffff  }
0xe0: {  	v61 =	vld.idx.msk [tilespmem:v9+s21+$0x0], $0xffff;
	[tilespmem:s13+$0x1060] =	vst v20;
	v17 =	vadd.f32 v18, v17  }
0xe1: {  	[tilespmem:s30+$0x0] =	vst v8;
	v8 =	vld.idx.msk [tilespmem:v9+s22+$0x0], $0xffff;
	v62 =	vadd.f32 v15, v14  }
0xe2: {  	[tilespmem:s10+$0x1010] =	vst v17;
	v13 =	vadd.f32 v13, v16  }
0xe3: {  	v12 =	vadd.f32 v58, v21;
	[tilespmem:s10+$0x1020] =	vst v62  }
0xe4: {  	v63 =	vadd.f32 v59, v22;
	[tilespmem:s10+$0x1030] =	vst v13  }
.Ltmp4:
0xe5: {  	s0 =	sshll.u32 s15, $0x7;
	v10 =	vadd.f32 v60, v23;
	[tilespmem:s10+$0x1040] =	vst v12;
	(pc) =	sbr.rel @p1 .LBB2_8-.Ltmp4, $4  }
0xe6: {  	s9 =	sshll.u32 s15, $0x9;
	s0 =	sand.u32 $0x3F80, s0;
	[tilespmem:s10+$0x1050] =	vst v63;
	v8 =	vadd.f32 v8, v61  }
0xe7: {  	s9 =	sand.u32 $0xFFF0000, s9;
	s0 =	sadd.s32 s1, s0;
	[tilespmem:s10+$0x1060] =	vst v10  }
0xe8: {  	s0 =	sadd.s32 s9, s0;
	[tilespmem:s10+$0x1070] =	vst v8  }
0xe9: {  	[hbm4b:s0+s24] =	stream.strided.scatter [tilespmem:s29], [sflag:$0x6], $0x1000, s25, s24, $0x38;
	[tilespmem:$0x6200] =	vst v63  }
0xea: {  	s0 =	sshll.u32 s15, $0x4  }
.Ltmp5:
0xeb: {  	s0 =	sadd.s32 $0x20, s0;
	(pc) =	sbr.rel .LBB2_2-.Ltmp5, $4  }
0xec: {  	s9 =	sadd.s32 s4, s0  }
0xed: {  	[tilespmem:s16], [sflag:$0x4] =	stream.linear.gather [hbm4b:s9+s3], $0x80, $0x38;
	[tilespmem:$0x6200] =	vst v63  }
0xee: {  	s2 =	sadd.s32 $0x1, s2;
	s0 =	sadd.s32 s5, s0  }
0xef: {  	[tilespmem:s19], [sflag:$0x4] =	stream.linear.gather [hbm4b:s0+s3], $0x80, $0x38;
	[tilespmem:$0x6200] =	vst v63  }
.LBB2_9:
0xf0: {  	_ =	sfence.sel $0x180000  }
0xf1: {  	[bflag:$0x0] =	sbarrier.arrive $0xFFFF  }
0xf2: {  	_ =	strace $0x90000047  }
0xf3: {  	s0 =	stileid.u32;
	[bflag:$0x2] =	sbarrier.arrive $0xFFFF  }
0xf4: {  	p0 =	sne.s32 s0, $0x0;
	s0 =	rddreg [dreg:$0x2]  }
0xf5: {  	s0 =	sadd.s32 @!p0 $0x100000, s0  }
0xf6: {  	[sflag:s0] =	ssyncadd.tile.s32 @!p0 $0x1;
	_ =	shalt  }
.Lfunc_end2:
_tile_overlayer_lowered:
.L_overlay_start_2:
0xf7: {  	(tag) =	ssettag $0x2  }
0xf8: {  	s0 =	rddreg [dreg:$0x0];
	s2 =	stileid.u32  }
0xf9: {  	s1 =	rddreg [dreg:$0x1];
	p0 =	sne.s32 s2, $0x0  }
0xfa: {  	s3 =	rddreg [dreg:$0x2];
	[bflag:$0x3] =	sbarrier.arrive $0xFFFF;
	s2 =	simm.s32 @!p0 $0x1C07  }
0xfb: {  	[timem:s3], [sflag:s2] =	dma.local @!p0 [hbm:s0], s1  }
0xfc: {  	s0 =	simm.s32 @!p0 $0x7  }
0xfd: {  	_ =	swait.ge @!p0 [sflag:s0], s1  }
0xfe: {  	s1 =	ssub.s32 @!p0 $0x0, s1;
	[sflag:s0] =	ssyncset.done @!p0 $0x0  }
0xff: {  	[sflag:s0] =	ssyncadd.s32 @!p0 s1  }
0x100: {  	[bflag:$0x3] =	sbarrier.arrive $0xFFFF  }
0x101: {  	_ =	shalt  }

</sc_bundles>
